<compile_context>
chip_gen: v7x
topology: tpu7x:2x2x1
jax: 0.10.2.dev20260603
libtpu: 0.0.44.dev20260713+nightly
codegen_flags: <defaults>
</compile_context>

<pallas_src>
import jax
import jax.numpy as jnp
import numpy as np
from jax import lax
from jax.experimental import pallas as pl
from jax.experimental.pallas import tpu as pltpu
from jax.experimental.pallas import tpu_sc as plsc

N_BINS = 15
N_ROWS = 16384
N_COLS = 1000
BLOCK = 2048

_UPPERS = np.array(
    [0x3D888889, 0x3E088889, 0x3E4CCCCE, 0x3E888889, 0x3EAAAAAB,
     0x3ECCCCCE, 0x3EEEEEF0, 0x3F088889, 0x3F19999A, 0x3F2AAAAB,
     0x3F3BBBBC, 0x3F4CCCCE, 0x3F5DDDDF, 0x3F6EEEF0, 0x3F800000],
    dtype=np.uint32).view(np.float32)


def _tc_body(x_ref, lab_ref, out_ref):
    sub = jax.lax.broadcasted_iota(jnp.int32, (8, BLOCK), 0)
    em8 = jnp.zeros((8, BLOCK), jnp.float32)
    s8 = jnp.zeros((8, BLOCK), jnp.float32)
    idx8 = jnp.full((8, BLOCK), N_COLS, jnp.int32)
    for k in range(N_COLS // 8):
        e = jnp.exp(x_ref[8 * k:8 * k + 8, :])
        s8 = s8 + e
        hit = e > em8
        idx8 = jnp.where(hit, sub + (8 * k), idx8)
        em8 = jnp.maximum(em8, e)

    m = jnp.max(em8, axis=0, keepdims=True)
    s = jnp.sum(s8, axis=0, keepdims=True)
    pred = jnp.min(jnp.where(em8 == m, idx8, N_COLS), axis=0, keepdims=True)
    acc = (pred == lab_ref[...]).astype(jnp.float32)
    out_ref[0:1, :] = m / s
    out_ref[1:2, :] = acc


_SC_SLICE = N_ROWS // 32


def _sc_body(ca_hbm, out_hbm, conf_v, acc_v, hist_c, hist_t, stage):
    wid = lax.axis_index("s") * 2 + lax.axis_index("c")
    base = wid * _SC_SLICE
    pltpu.sync_copy(ca_hbm.at[0, pl.ds(base, _SC_SLICE)], conf_v)
    pltpu.sync_copy(ca_hbm.at[1, pl.ds(base, _SC_SLICE)], acc_v)

    lane = lax.broadcasted_iota(jnp.int32, (16,), 0)
    zero16 = jnp.zeros((16,), jnp.float32)
    for r in range(16):
        hist_c[r] = zero16
        hist_t[r] = zero16

    ones = jnp.ones((16,), jnp.float32)
    ione = jnp.ones((16,), jnp.int32)

    def _bin_step(v, carry):
        c = conf_v[pl.ds(16 * v, 16)]
        a = acc_v[pl.ds(16 * v, 16)]
        cnt = jnp.zeros((16,), jnp.int32)
        for b in _UPPERS[:-1]:
            cnt = jnp.where(c >= jnp.float32(b), cnt + ione, cnt)
        plsc.addupdate_scatter(hist_c, [lane, cnt], a)
        plsc.addupdate_scatter(hist_t, [lane, cnt], ones)
        return carry

    lax.fori_loop(0, _SC_SLICE // 16, _bin_step, 0)

    corr = jnp.zeros((16,), jnp.float32)
    tot = jnp.zeros((16,), jnp.float32)
    for r in range(16):
        corr = corr + hist_c[r]
        tot = tot + hist_t[r]

    stage[...] = corr
    pltpu.sync_copy(stage, out_hbm.at[wid, 0])
    stage[...] = tot - corr
    pltpu.sync_copy(stage, out_hbm.at[wid, 1])


def kernel(logits, labels):
    xt = logits.T
    lab = labels.astype(jnp.int32).reshape(1, N_ROWS)
    grid = N_ROWS // BLOCK
    ca = pl.pallas_call(
        _tc_body,
        grid=(grid,),
        in_specs=[
            pl.BlockSpec((N_COLS, BLOCK), lambda i: (0, i)),
            pl.BlockSpec((1, BLOCK), lambda i: (0, i)),
        ],
        out_specs=pl.BlockSpec((2, BLOCK), lambda i: (0, i)),
        out_shape=jax.ShapeDtypeStruct((2, N_ROWS), jnp.float32),
        compiler_params=pltpu.CompilerParams(
            dimension_semantics=("arbitrary",),
        ),
    )(xt, lab)

    parts = pl.kernel(
        _sc_body,
        out_type=jax.ShapeDtypeStruct((32, 2, 16), jnp.float32),
        mesh=plsc.VectorSubcoreMesh(core_axis_name="c", subcore_axis_name="s"),
        compiler_params=pltpu.CompilerParams(needs_layout_passes=False),
        scratch_types=[
            pltpu.VMEM((_SC_SLICE,), jnp.float32),
            pltpu.VMEM((_SC_SLICE,), jnp.float32),
            pltpu.VMEM((16, 16), jnp.float32),
            pltpu.VMEM((16, 16), jnp.float32),
            pltpu.VMEM((16,), jnp.float32),
        ],
    )(ca)

    hist = jnp.sum(parts, axis=0)
    return hist[:, 0:N_BINS].T

# --- scband reference (transcript-rebuilt; emitter-appended) ---
"""Pipeline reference for scband-conf-acc-loss-23502061044340 (READ-ONLY COPY).

The authoritative reference and input builder live on the scoring server;
editing this copy changes nothing except your own understanding.
"""

import jax, jax.numpy as jnp
import numpy as np

N_BINS = 15


def setup_inputs(seed: int = 0) -> dict:
    key = jax.random.key(seed)
    k1, k2 = jax.random.split(key)
    logits = jax.random.normal(k1, (16384, 1000), dtype=jnp.float32)
    labels = jax.random.randint(k2, (16384,), 0, 1000, dtype=jnp.int64)
    return {"logits": logits, "labels": labels}


def reference(logits, labels):
    n_bins = N_BINS
    bin_boundaries = jnp.linspace(0.0, 1.0, n_bins + 1)
    bin_lowers = bin_boundaries[:-1]
    bin_uppers = bin_boundaries[1:]

    softmaxes = jax.nn.softmax(logits, axis=1)
    confidences = jnp.max(softmaxes, axis=1)
    predictions = jnp.argmax(softmaxes, axis=1)
    accuracies = (predictions == labels).astype(jnp.float32)

    # in_bin[i, n] = True if confidences[n] falls in bin i.
    # Last bin is inclusive on the upper edge (matches the torch loop).
    conf = confidences[None, :]
    lo = bin_lowers[:, None]
    hi = bin_uppers[:, None]
    in_bin_open = (conf >= lo) & (conf < hi)
    in_bin_closed = (conf >= lo) & (conf <= hi)
    last_row = jnp.arange(n_bins)[:, None] == (n_bins - 1)
    in_bin = jnp.where(last_row, in_bin_closed, in_bin_open).astype(jnp.float32)

    correct = jnp.sum(in_bin * accuracies[None, :], axis=1)
    total = jnp.sum(in_bin, axis=1)
    bin_stats = jnp.stack([correct, total - correct], axis=1)
    return bin_stats

if __name__ == "__main__":
    import jax
    _d = setup_inputs()
    print(jax.jit(kernel)(*tuple(_d.values())))

</pallas_src>

<mosaic_0001>
#map = affine_map<(d0, d1) -> (0, 0)>
#map1 = affine_map<(d0, d1) -> (0, 0, 0)>
module attributes {stable_mosaic.version = 14 : i64} {
  func.func @_sc_body(%arg0: i32, %arg1: i32, %arg2: memref<2x16384xf32, #tpu.memory_space<hbm>>, %arg3: memref<32x2x16xf32, #tpu.memory_space<hbm>>, %arg4: memref<512xf32, #tpu.memory_space<vmem>>, %arg5: memref<512xf32, #tpu.memory_space<vmem>>, %arg6: memref<16x16xf32, #tpu.memory_space<vmem>>, %arg7: memref<16x16xf32, #tpu.memory_space<vmem>>, %arg8: memref<16xf32, #tpu.memory_space<vmem>>) attributes {dimension_semantics = [#tpu.dimension_semantics<core_parallel>, #tpu.dimension_semantics<subcore_parallel>], iteration_bounds = array<i64: 2, 16>, scalar_prefetch = 0 : i64, scratch_operands = 5 : i64, tpu.core_type = #tpu.core_type<sc_vector_subcore>, window_params = [{transform_indices = #map}, {transform_indices = #map1}]} {
    %mul3A = arith.constant 2 : i32
    %mul3A_0 = arith.muli %arg1, %mul3A : i32
    %add3A = arith.addi %mul3A_0, %arg0 : i32
    %mul3A_1 = arith.constant 512 : i32
    %mul3A_2 = arith.muli %add3A, %mul3A_1 : i32
    %run_scoped3A = arith.constant 0 : i32
    "tpu.region"() ({
      %run_scoped3A_310 = tpu.sem_alloc : memref<!tpu.dma_semaphore, #tpu.memory_space<semaphore_mem>>
      %dma_start3A = tpu.memref_slice %arg2[%run_scoped3A, %mul3A_2] : memref<2x16384xf32, #tpu.memory_space<hbm>> -> memref<1x512xf32, #tpu.memory_space<hbm>>
      %dma_start3A_311 = tpu.memref_squeeze %dma_start3A : memref<1x512xf32, #tpu.memory_space<hbm>> -> memref<512xf32, #tpu.memory_space<hbm>>
      %dma_start3A_312 = tpu.memref_slice %arg2[%run_scoped3A, %mul3A_2] : memref<2x16384xf32, #tpu.memory_space<hbm>> -> memref<1x512xf32, #tpu.memory_space<hbm>>
      %dma_start3A_313 = tpu.memref_squeeze %dma_start3A_312 : memref<1x512xf32, #tpu.memory_space<hbm>> -> memref<512xf32, #tpu.memory_space<hbm>>
      tpu.enqueue_dma source(%dma_start3A_313 : memref<512xf32, #tpu.memory_space<hbm>>) target(%arg4 : memref<512xf32, #tpu.memory_space<vmem>>) target_semaphore(%run_scoped3A_310 : memref<!tpu.dma_semaphore, #tpu.memory_space<semaphore_mem>>)
      %dma_wait3A = tpu.memref_slice %arg2[%run_scoped3A, %mul3A_2] : memref<2x16384xf32, #tpu.memory_space<hbm>> -> memref<1x512xf32, #tpu.memory_space<hbm>>
      %dma_wait3A_314 = tpu.memref_squeeze %dma_wait3A : memref<1x512xf32, #tpu.memory_space<hbm>> -> memref<512xf32, #tpu.memory_space<hbm>>
      %dma_wait3A_315 = tpu.memref_slice %arg2[%run_scoped3A, %mul3A_2] : memref<2x16384xf32, #tpu.memory_space<hbm>> -> memref<1x512xf32, #tpu.memory_space<hbm>>
      %dma_wait3A_316 = tpu.memref_squeeze %dma_wait3A_315 : memref<1x512xf32, #tpu.memory_space<hbm>> -> memref<512xf32, #tpu.memory_space<hbm>>
      tpu.wait_dma2 semaphore(%run_scoped3A_310 : memref<!tpu.dma_semaphore, #tpu.memory_space<semaphore_mem>>) src(%dma_wait3A_316 : memref<512xf32, #tpu.memory_space<hbm>>) dst(%arg4 : memref<512xf32, #tpu.memory_space<vmem>>)
      tpu.yield
    }) : () -> ()
    %run_scoped3A_3 = arith.constant 1 : i32
    "tpu.region"() ({
      %run_scoped3A_310 = tpu.sem_alloc : memref<!tpu.dma_semaphore, #tpu.memory_space<semaphore_mem>>
      %dma_start3A = tpu.memref_slice %arg2[%run_scoped3A_3, %mul3A_2] : memref<2x16384xf32, #tpu.memory_space<hbm>> -> memref<1x512xf32, #tpu.memory_space<hbm>>
      %dma_start3A_311 = tpu.memref_squeeze %dma_start3A : memref<1x512xf32, #tpu.memory_space<hbm>> -> memref<512xf32, #tpu.memory_space<hbm>>
      %dma_start3A_312 = tpu.memref_slice %arg2[%run_scoped3A_3, %mul3A_2] : memref<2x16384xf32, #tpu.memory_space<hbm>> -> memref<1x512xf32, #tpu.memory_space<hbm>>
      %dma_start3A_313 = tpu.memref_squeeze %dma_start3A_312 : memref<1x512xf32, #tpu.memory_space<hbm>> -> memref<512xf32, #tpu.memory_space<hbm>>
      tpu.enqueue_dma source(%dma_start3A_313 : memref<512xf32, #tpu.memory_space<hbm>>) target(%arg5 : memref<512xf32, #tpu.memory_space<vmem>>) target_semaphore(%run_scoped3A_310 : memref<!tpu.dma_semaphore, #tpu.memory_space<semaphore_mem>>)
      %dma_wait3A = tpu.memref_slice %arg2[%run_scoped3A_3, %mul3A_2] : memref<2x16384xf32, #tpu.memory_space<hbm>> -> memref<1x512xf32, #tpu.memory_space<hbm>>
      %dma_wait3A_314 = tpu.memref_squeeze %dma_wait3A : memref<1x512xf32, #tpu.memory_space<hbm>> -> memref<512xf32, #tpu.memory_space<hbm>>
      %dma_wait3A_315 = tpu.memref_slice %arg2[%run_scoped3A_3, %mul3A_2] : memref<2x16384xf32, #tpu.memory_space<hbm>> -> memref<1x512xf32, #tpu.memory_space<hbm>>
      %dma_wait3A_316 = tpu.memref_squeeze %dma_wait3A_315 : memref<1x512xf32, #tpu.memory_space<hbm>> -> memref<512xf32, #tpu.memory_space<hbm>>
      tpu.wait_dma2 semaphore(%run_scoped3A_310 : memref<!tpu.dma_semaphore, #tpu.memory_space<semaphore_mem>>) src(%dma_wait3A_316 : memref<512xf32, #tpu.memory_space<hbm>>) dst(%arg5 : memref<512xf32, #tpu.memory_space<vmem>>)
      tpu.yield
    }) : () -> ()
    %iota3A = tpu.iota {dimensions = array<i32: 0>} : vector<16xi32>
    %broadcast_in_dim3A = arith.constant 0.000000e+00 : f32
    %broadcast_in_dim3A_4 = vector.broadcast %broadcast_in_dim3A : f32 to vector<16xf32>
    %swap3A = arith.constant 0 : i32
    %swap3A_5 = arith.index_cast %swap3A : i32 to index
    %swap3A_6 = arith.constant 0 : index
    %swap3A_7 = tpu.vector_load %arg6[%swap3A_5, %swap3A_6] {strides = array<i32>} : memref<16x16xf32, #tpu.memory_space<vmem>>, vector<16xf32>,
    tpu.vector_store %arg6[%swap3A_5, %swap3A_6], %broadcast_in_dim3A_4 {strides = array<i32>} : memref<16x16xf32, #tpu.memory_space<vmem>>, vector<16xf32>,
    %swap3A_8 = arith.constant 0 : i32
    %swap3A_9 = arith.index_cast %swap3A_8 : i32 to index
    %swap3A_10 = arith.constant 0 : index
    %swap3A_11 = tpu.vector_load %arg7[%swap3A_9, %swap3A_10] {strides = array<i32>} : memref<16x16xf32, #tpu.memory_space<vmem>>, vector<16xf32>,
    tpu.vector_store %arg7[%swap3A_9, %swap3A_10], %broadcast_in_dim3A_4 {strides = array<i32>} : memref<16x16xf32, #tpu.memory_space<vmem>>, vector<16xf32>,
    %swap3A_12 = arith.constant 1 : i32
    %swap3A_13 = arith.index_cast %swap3A_12 : i32 to index
    %swap3A_14 = arith.constant 0 : index
    %swap3A_15 = tpu.vector_load %arg6[%swap3A_13, %swap3A_14] {strides = array<i32>} : memref<16x16xf32, #tpu.memory_space<vmem>>, vector<16xf32>,
    tpu.vector_store %arg6[%swap3A_13, %swap3A_14], %broadcast_in_dim3A_4 {strides = array<i32>} : memref<16x16xf32, #tpu.memory_space<vmem>>, vector<16xf32>,
    %swap3A_16 = arith.constant 1 : i32
    %swap3A_17 = arith.index_cast %swap3A_16 : i32 to index
    %swap3A_18 = arith.constant 0 : index
    %swap3A_19 = tpu.vector_load %arg7[%swap3A_17, %swap3A_18] {strides = array<i32>} : memref<16x16xf32, #tpu.memory_space<vmem>>, vector<16xf32>,
    tpu.vector_store %arg7[%swap3A_17, %swap3A_18], %broadcast_in_dim3A_4 {strides = array<i32>} : memref<16x16xf32, #tpu.memory_space<vmem>>, vector<16xf32>,
    %swap3A_20 = arith.constant 2 : i32
    %swap3A_21 = arith.index_cast %swap3A_20 : i32 to index
    %swap3A_22 = arith.constant 0 : index
    %swap3A_23 = tpu.vector_load %arg6[%swap3A_21, %swap3A_22] {strides = array<i32>} : memref<16x16xf32, #tpu.memory_space<vmem>>, vector<16xf32>,
    tpu.vector_store %arg6[%swap3A_21, %swap3A_22], %broadcast_in_dim3A_4 {strides = array<i32>} : memref<16x16xf32, #tpu.memory_space<vmem>>, vector<16xf32>,
    %swap3A_24 = arith.constant 2 : i32
    %swap3A_25 = arith.index_cast %swap3A_24 : i32 to index
    %swap3A_26 = arith.constant 0 : index
    %swap3A_27 = tpu.vector_load %arg7[%swap3A_25, %swap3A_26] {strides = array<i32>} : memref<16x16xf32, #tpu.memory_space<vmem>>, vector<16xf32>,
    tpu.vector_store %arg7[%swap3A_25, %swap3A_26], %broadcast_in_dim3A_4 {strides = array<i32>} : memref<16x16xf32, #tpu.memory_space<vmem>>, vector<16xf32>,
    %swap3A_28 = arith.constant 3 : i32
    %swap3A_29 = arith.index_cast %swap3A_28 : i32 to index
    %swap3A_30 = arith.constant 0 : index
    %swap3A_31 = tpu.vector_load %arg6[%swap3A_29, %swap3A_30] {strides = array<i32>} : memref<16x16xf32, #tpu.memory_space<vmem>>, vector<16xf32>,
    tpu.vector_store %arg6[%swap3A_29, %swap3A_30], %broadcast_in_dim3A_4 {strides = array<i32>} : memref<16x16xf32, #tpu.memory_space<vmem>>, vector<16xf32>,
    %swap3A_32 = arith.constant 3 : i32
    %swap3A_33 = arith.index_cast %swap3A_32 : i32 to index
    %swap3A_34 = arith.constant 0 : index
    %swap3A_35 = tpu.vector_load %arg7[%swap3A_33, %swap3A_34] {strides = array<i32>} : memref<16x16xf32, #tpu.memory_space<vmem>>, vector<16xf32>,
    tpu.vector_store %arg7[%swap3A_33, %swap3A_34], %broadcast_in_dim3A_4 {strides = array<i32>} : memref<16x16xf32, #tpu.memory_space<vmem>>, vector<16xf32>,
    %swap3A_36 = arith.constant 4 : i32
    %swap3A_37 = arith.index_cast %swap3A_36 : i32 to index
    %swap3A_38 = arith.constant 0 : index
    %swap3A_39 = tpu.vector_load %arg6[%swap3A_37, %swap3A_38] {strides = array<i32>} : memref<16x16xf32, #tpu.memory_space<vmem>>, vector<16xf32>,
    tpu.vector_store %arg6[%swap3A_37, %swap3A_38], %broadcast_in_dim3A_4 {strides = array<i32>} : memref<16x16xf32, #tpu.memory_space<vmem>>, vector<16xf32>,
    %swap3A_40 = arith.constant 4 : i32
    %swap3A_41 = arith.index_cast %swap3A_40 : i32 to index
    %swap3A_42 = arith.constant 0 : index
    %swap3A_43 = tpu.vector_load %arg7[%swap3A_41, %swap3A_42] {strides = array<i32>} : memref<16x16xf32, #tpu.memory_space<vmem>>, vector<16xf32>,
    tpu.vector_store %arg7[%swap3A_41, %swap3A_42], %broadcast_in_dim3A_4 {strides = array<i32>} : memref<16x16xf32, #tpu.memory_space<vmem>>, vector<16xf32>,
    %swap3A_44 = arith.constant 5 : i32
    %swap3A_45 = arith.index_cast %swap3A_44 : i32 to index
    %swap3A_46 = arith.constant 0 : index
    %swap3A_47 = tpu.vector_load %arg6[%swap3A_45, %swap3A_46] {strides = array<i32>} : memref<16x16xf32, #tpu.memory_space<vmem>>, vector<16xf32>,
    tpu.vector_store %arg6[%swap3A_45, %swap3A_46], %broadcast_in_dim3A_4 {strides = array<i32>} : memref<16x16xf32, #tpu.memory_space<vmem>>, vector<16xf32>,
    %swap3A_48 = arith.constant 5 : i32
    %swap3A_49 = arith.index_cast %swap3A_48 : i32 to index
    %swap3A_50 = arith.constant 0 : index
    %swap3A_51 = tpu.vector_load %arg7[%swap3A_49, %swap3A_50] {strides = array<i32>} : memref<16x16xf32, #tpu.memory_space<vmem>>, vector<16xf32>,
    tpu.vector_store %arg7[%swap3A_49, %swap3A_50], %broadcast_in_dim3A_4 {strides = array<i32>} : memref<16x16xf32, #tpu.memory_space<vmem>>, vector<16xf32>,
    %swap3A_52 = arith.constant 6 : i32
    %swap3A_53 = arith.index_cast %swap3A_52 : i32 to index
    %swap3A_54 = arith.constant 0 : index
    %swap3A_55 = tpu.vector_load %arg6[%swap3A_53, %swap3A_54] {strides = array<i32>} : memref<16x16xf32, #tpu.memory_space<vmem>>, vector<16xf32>,
    tpu.vector_store %arg6[%swap3A_53, %swap3A_54], %broadcast_in_dim3A_4 {strides = array<i32>} : memref<16x16xf32, #tpu.memory_space<vmem>>, vector<16xf32>,
    %swap3A_56 = arith.constant 6 : i32
    %swap3A_57 = arith.index_cast %swap3A_56 : i32 to index
    %swap3A_58 = arith.constant 0 : index
    %swap3A_59 = tpu.vector_load %arg7[%swap3A_57, %swap3A_58] {strides = array<i32>} : memref<16x16xf32, #tpu.memory_space<vmem>>, vector<16xf32>,
    tpu.vector_store %arg7[%swap3A_57, %swap3A_58], %broadcast_in_dim3A_4 {strides = array<i32>} : memref<16x16xf32, #tpu.memory_space<vmem>>, vector<16xf32>,
    %swap3A_60 = arith.constant 7 : i32
    %swap3A_61 = arith.index_cast %swap3A_60 : i32 to index
    %swap3A_62 = arith.constant 0 : index
    %swap3A_63 = tpu.vector_load %arg6[%swap3A_61, %swap3A_62] {strides = array<i32>} : memref<16x16xf32, #tpu.memory_space<vmem>>, vector<16xf32>,
    tpu.vector_store %arg6[%swap3A_61, %swap3A_62], %broadcast_in_dim3A_4 {strides = array<i32>} : memref<16x16xf32, #tpu.memory_space<vmem>>, vector<16xf32>,
    %swap3A_64 = arith.constant 7 : i32
    %swap3A_65 = arith.index_cast %swap3A_64 : i32 to index
    %swap3A_66 = arith.constant 0 : index
    %swap3A_67 = tpu.vector_load %arg7[%swap3A_65, %swap3A_66] {strides = array<i32>} : memref<16x16xf32, #tpu.memory_space<vmem>>, vector<16xf32>,
    tpu.vector_store %arg7[%swap3A_65, %swap3A_66], %broadcast_in_dim3A_4 {strides = array<i32>} : memref<16x16xf32, #tpu.memory_space<vmem>>, vector<16xf32>,
    %swap3A_68 = arith.constant 8 : i32
    %swap3A_69 = arith.index_cast %swap3A_68 : i32 to index
    %swap3A_70 = arith.constant 0 : index
    %swap3A_71 = tpu.vector_load %arg6[%swap3A_69, %swap3A_70] {strides = array<i32>} : memref<16x16xf32, #tpu.memory_space<vmem>>, vector<16xf32>,
    tpu.vector_store %arg6[%swap3A_69, %swap3A_70], %broadcast_in_dim3A_4 {strides = array<i32>} : memref<16x16xf32, #tpu.memory_space<vmem>>, vector<16xf32>,
    %swap3A_72 = arith.constant 8 : i32
    %swap3A_73 = arith.index_cast %swap3A_72 : i32 to index
    %swap3A_74 = arith.constant 0 : index
    %swap3A_75 = tpu.vector_load %arg7[%swap3A_73, %swap3A_74] {strides = array<i32>} : memref<16x16xf32, #tpu.memory_space<vmem>>, vector<16xf32>,
    tpu.vector_store %arg7[%swap3A_73, %swap3A_74], %broadcast_in_dim3A_4 {strides = array<i32>} : memref<16x16xf32, #tpu.memory_space<vmem>>, vector<16xf32>,
    %swap3A_76 = arith.constant 9 : i32
    %swap3A_77 = arith.index_cast %swap3A_76 : i32 to index
    %swap3A_78 = arith.constant 0 : index
    %swap3A_79 = tpu.vector_load %arg6[%swap3A_77, %swap3A_78] {strides = array<i32>} : memref<16x16xf32, #tpu.memory_space<vmem>>, vector<16xf32>,
    tpu.vector_store %arg6[%swap3A_77, %swap3A_78], %broadcast_in_dim3A_4 {strides = array<i32>} : memref<16x16xf32, #tpu.memory_space<vmem>>, vector<16xf32>,
    %swap3A_80 = arith.constant 9 : i32
    %swap3A_81 = arith.index_cast %swap3A_80 : i32 to index
    %swap3A_82 = arith.constant 0 : index
    %swap3A_83 = tpu.vector_load %arg7[%swap3A_81, %swap3A_82] {strides = array<i32>} : memref<16x16xf32, #tpu.memory_space<vmem>>, vector<16xf32>,
    tpu.vector_store %arg7[%swap3A_81, %swap3A_82], %broadcast_in_dim3A_4 {strides = array<i32>} : memref<16x16xf32, #tpu.memory_space<vmem>>, vector<16xf32>,
    %swap3A_84 = arith.constant 10 : i32
    %swap3A_85 = arith.index_cast %swap3A_84 : i32 to index
    %swap3A_86 = arith.constant 0 : index
    %swap3A_87 = tpu.vector_load %arg6[%swap3A_85, %swap3A_86] {strides = array<i32>} : memref<16x16xf32, #tpu.memory_space<vmem>>, vector<16xf32>,
    tpu.vector_store %arg6[%swap3A_85, %swap3A_86], %broadcast_in_dim3A_4 {strides = array<i32>} : memref<16x16xf32, #tpu.memory_space<vmem>>, vector<16xf32>,
    %swap3A_88 = arith.constant 10 : i32
    %swap3A_89 = arith.index_cast %swap3A_88 : i32 to index
    %swap3A_90 = arith.constant 0 : index
    %swap3A_91 = tpu.vector_load %arg7[%swap3A_89, %swap3A_90] {strides = array<i32>} : memref<16x16xf32, #tpu.memory_space<vmem>>, vector<16xf32>,
    tpu.vector_store %arg7[%swap3A_89, %swap3A_90], %broadcast_in_dim3A_4 {strides = array<i32>} : memref<16x16xf32, #tpu.memory_space<vmem>>, vector<16xf32>,
    %swap3A_92 = arith.constant 11 : i32
    %swap3A_93 = arith.index_cast %swap3A_92 : i32 to index
    %swap3A_94 = arith.constant 0 : index
    %swap3A_95 = tpu.vector_load %arg6[%swap3A_93, %swap3A_94] {strides = array<i32>} : memref<16x16xf32, #tpu.memory_space<vmem>>, vector<16xf32>,
    tpu.vector_store %arg6[%swap3A_93, %swap3A_94], %broadcast_in_dim3A_4 {strides = array<i32>} : memref<16x16xf32, #tpu.memory_space<vmem>>, vector<16xf32>,
    %swap3A_96 = arith.constant 11 : i32
    %swap3A_97 = arith.index_cast %swap3A_96 : i32 to index
    %swap3A_98 = arith.constant 0 : index
    %swap3A_99 = tpu.vector_load %arg7[%swap3A_97, %swap3A_98] {strides = array<i32>} : memref<16x16xf32, #tpu.memory_space<vmem>>, vector<16xf32>,
    tpu.vector_store %arg7[%swap3A_97, %swap3A_98], %broadcast_in_dim3A_4 {strides = array<i32>} : memref<16x16xf32, #tpu.memory_space<vmem>>, vector<16xf32>,
    %swap3A_100 = arith.constant 12 : i32
    %swap3A_101 = arith.index_cast %swap3A_100 : i32 to index
    %swap3A_102 = arith.constant 0 : index
    %swap3A_103 = tpu.vector_load %arg6[%swap3A_101, %swap3A_102] {strides = array<i32>} : memref<16x16xf32, #tpu.memory_space<vmem>>, vector<16xf32>,
    tpu.vector_store %arg6[%swap3A_101, %swap3A_102], %broadcast_in_dim3A_4 {strides = array<i32>} : memref<16x16xf32, #tpu.memory_space<vmem>>, vector<16xf32>,
    %swap3A_104 = arith.constant 12 : i32
    %swap3A_105 = arith.index_cast %swap3A_104 : i32 to index
    %swap3A_106 = arith.constant 0 : index
    %swap3A_107 = tpu.vector_load %arg7[%swap3A_105, %swap3A_106] {strides = array<i32>} : memref<16x16xf32, #tpu.memory_space<vmem>>, vector<16xf32>,
    tpu.vector_store %arg7[%swap3A_105, %swap3A_106], %broadcast_in_dim3A_4 {strides = array<i32>} : memref<16x16xf32, #tpu.memory_space<vmem>>, vector<16xf32>,
    %swap3A_108 = arith.constant 13 : i32
    %swap3A_109 = arith.index_cast %swap3A_108 : i32 to index
    %swap3A_110 = arith.constant 0 : index
    %swap3A_111 = tpu.vector_load %arg6[%swap3A_109, %swap3A_110] {strides = array<i32>} : memref<16x16xf32, #tpu.memory_space<vmem>>, vector<16xf32>,
    tpu.vector_store %arg6[%swap3A_109, %swap3A_110], %broadcast_in_dim3A_4 {strides = array<i32>} : memref<16x16xf32, #tpu.memory_space<vmem>>, vector<16xf32>,
    %swap3A_112 = arith.constant 13 : i32
    %swap3A_113 = arith.index_cast %swap3A_112 : i32 to index
    %swap3A_114 = arith.constant 0 : index
    %swap3A_115 = tpu.vector_load %arg7[%swap3A_113, %swap3A_114] {strides = array<i32>} : memref<16x16xf32, #tpu.memory_space<vmem>>, vector<16xf32>,
    tpu.vector_store %arg7[%swap3A_113, %swap3A_114], %broadcast_in_dim3A_4 {strides = array<i32>} : memref<16x16xf32, #tpu.memory_space<vmem>>, vector<16xf32>,
    %swap3A_116 = arith.constant 14 : i32
    %swap3A_117 = arith.index_cast %swap3A_116 : i32 to index
    %swap3A_118 = arith.constant 0 : index
    %swap3A_119 = tpu.vector_load %arg6[%swap3A_117, %swap3A_118] {strides = array<i32>} : memref<16x16xf32, #tpu.memory_space<vmem>>, vector<16xf32>,
    tpu.vector_store %arg6[%swap3A_117, %swap3A_118], %broadcast_in_dim3A_4 {strides = array<i32>} : memref<16x16xf32, #tpu.memory_space<vmem>>, vector<16xf32>,
    %swap3A_120 = arith.constant 14 : i32
    %swap3A_121 = arith.index_cast %swap3A_120 : i32 to index
    %swap3A_122 = arith.constant 0 : index
    %swap3A_123 = tpu.vector_load %arg7[%swap3A_121, %swap3A_122] {strides = array<i32>} : memref<16x16xf32, #tpu.memory_space<vmem>>, vector<16xf32>,
    tpu.vector_store %arg7[%swap3A_121, %swap3A_122], %broadcast_in_dim3A_4 {strides = array<i32>} : memref<16x16xf32, #tpu.memory_space<vmem>>, vector<16xf32>,
    %swap3A_124 = arith.constant 15 : i32
    %swap3A_125 = arith.index_cast %swap3A_124 : i32 to index
    %swap3A_126 = arith.constant 0 : index
    %swap3A_127 = tpu.vector_load %arg6[%swap3A_125, %swap3A_126] {strides = array<i32>} : memref<16x16xf32, #tpu.memory_space<vmem>>, vector<16xf32>,
    tpu.vector_store %arg6[%swap3A_125, %swap3A_126], %broadcast_in_dim3A_4 {strides = array<i32>} : memref<16x16xf32, #tpu.memory_space<vmem>>, vector<16xf32>,
    %swap3A_128 = arith.constant 15 : i32
    %swap3A_129 = arith.index_cast %swap3A_128 : i32 to index
    %swap3A_130 = arith.constant 0 : index
    %swap3A_131 = tpu.vector_load %arg7[%swap3A_129, %swap3A_130] {strides = array<i32>} : memref<16x16xf32, #tpu.memory_space<vmem>>, vector<16xf32>,
    tpu.vector_store %arg7[%swap3A_129, %swap3A_130], %broadcast_in_dim3A_4 {strides = array<i32>} : memref<16x16xf32, #tpu.memory_space<vmem>>, vector<16xf32>,
    %broadcast_in_dim3A_132 = arith.constant 1.000000e+00 : f32
    %broadcast_in_dim3A_133 = vector.broadcast %broadcast_in_dim3A_132 : f32 to vector<16xf32>
    %broadcast_in_dim3A_134 = arith.constant 1 : i32
    %broadcast_in_dim3A_135 = vector.broadcast %broadcast_in_dim3A_134 : i32 to vector<16xi32>
    %scan3A = arith.constant 0 : i32
    %scan3A_136 = arith.constant 0 : i32
    %scan3A_137 = arith.constant 32 : i32
    %scan3A_138 = arith.addi %scan3A_136, %scan3A_137 : i32
    %scan3A_139 = arith.constant 1 : i32
    scf.for %scan3A_310 = %scan3A_136 to %scan3A_138 step %scan3A_139  : i32 {
      %mul3A_311 = arith.constant 16 : i32
      %mul3A_312 = arith.muli %mul3A_311, %scan3A_310 : i32
      %get3A_313 = arith.index_cast %mul3A_312 : i32 to index
      %get3A_314 = tpu.vector_load %arg4[%get3A_313] {strides = array<i32>} : memref<512xf32, #tpu.memory_space<vmem>>, vector<16xf32>,
      %mul3A_315 = arith.constant 16 : i32
      %mul3A_316 = arith.muli %mul3A_315, %scan3A_310 : i32
      %get3A_317 = arith.index_cast %mul3A_316 : i32 to index
      %get3A_318 = tpu.vector_load %arg5[%get3A_317] {strides = array<i32>} : memref<512xf32, #tpu.memory_space<vmem>>, vector<16xf32>,
      %broadcast_in_dim3A_319 = arith.constant 0 : i32
      %broadcast_in_dim3A_320 = vector.broadcast %broadcast_in_dim3A_319 : i32 to vector<16xi32>
      %ge3A = arith.constant 0.0666666701 : f32
      %ge3A_321 = vector.broadcast %ge3A : f32 to vector<16xf32>
      %ge3A_322 = arith.cmpf oge, %get3A_314, %ge3A_321 : vector<16xf32>
      %add3A_323 = arith.addi %broadcast_in_dim3A_320, %broadcast_in_dim3A_135 : vector<16xi32>
      %select_n3A = arith.select %ge3A_322, %add3A_323, %broadcast_in_dim3A_320 : vector<16xi1>, vector<16xi32>
      %ge3A_324 = arith.constant 0.13333334 : f32
      %ge3A_325 = vector.broadcast %ge3A_324 : f32 to vector<16xf32>
      %ge3A_326 = arith.cmpf oge, %get3A_314, %ge3A_325 : vector<16xf32>
      %add3A_327 = arith.addi %select_n3A, %broadcast_in_dim3A_135 : vector<16xi32>
      %select_n3A_328 = arith.select %ge3A_326, %add3A_327, %select_n3A : vector<16xi1>, vector<16xi32>
      %ge3A_329 = arith.constant 0.200000018 : f32
      %ge3A_330 = vector.broadcast %ge3A_329 : f32 to vector<16xf32>
      %ge3A_331 = arith.cmpf oge, %get3A_314, %ge3A_330 : vector<16xf32>
      %add3A_332 = arith.addi %select_n3A_328, %broadcast_in_dim3A_135 : vector<16xi32>
      %select_n3A_333 = arith.select %ge3A_331, %add3A_332, %select_n3A_328 : vector<16xi1>, vector<16xi32>
      %ge3A_334 = arith.constant 0.266666681 : f32
      %ge3A_335 = vector.broadcast %ge3A_334 : f32 to vector<16xf32>
      %ge3A_336 = arith.cmpf oge, %get3A_314, %ge3A_335 : vector<16xf32>
      %add3A_337 = arith.addi %select_n3A_333, %broadcast_in_dim3A_135 : vector<16xi32>
      %select_n3A_338 = arith.select %ge3A_336, %add3A_337, %select_n3A_333 : vector<16xi1>, vector<16xi32>
      %ge3A_339 = arith.constant 0.333333343 : f32
      %ge3A_340 = vector.broadcast %ge3A_339 : f32 to vector<16xf32>
      %ge3A_341 = arith.cmpf oge, %get3A_314, %ge3A_340 : vector<16xf32>
      %add3A_342 = arith.addi %select_n3A_338, %broadcast_in_dim3A_135 : vector<16xi32>
      %select_n3A_343 = arith.select %ge3A_341, %add3A_342, %select_n3A_338 : vector<16xi1>, vector<16xi32>
      %ge3A_344 = arith.constant 0.400000036 : f32
      %ge3A_345 = vector.broadcast %ge3A_344 : f32 to vector<16xf32>
      %ge3A_346 = arith.cmpf oge, %get3A_314, %ge3A_345 : vector<16xf32>
      %add3A_347 = arith.addi %select_n3A_343, %broadcast_in_dim3A_135 : vector<16xi32>
      %select_n3A_348 = arith.select %ge3A_346, %add3A_347, %select_n3A_343 : vector<16xi1>, vector<16xi32>
      %ge3A_349 = arith.constant 0.466666698 : f32
      %ge3A_350 = vector.broadcast %ge3A_349 : f32 to vector<16xf32>
      %ge3A_351 = arith.cmpf oge, %get3A_314, %ge3A_350 : vector<16xf32>
      %add3A_352 = arith.addi %select_n3A_348, %broadcast_in_dim3A_135 : vector<16xi32>
      %select_n3A_353 = arith.select %ge3A_351, %add3A_352, %select_n3A_348 : vector<16xi1>, vector<16xi32>
      %ge3A_354 = arith.constant 0.533333361 : f32
      %ge3A_355 = vector.broadcast %ge3A_354 : f32 to vector<16xf32>
      %ge3A_356 = arith.cmpf oge, %get3A_314, %ge3A_355 : vector<16xf32>
      %add3A_357 = arith.addi %select_n3A_353, %broadcast_in_dim3A_135 : vector<16xi32>
      %select_n3A_358 = arith.select %ge3A_356, %add3A_357, %select_n3A_353 : vector<16xi1>, vector<16xi32>
      %ge3A_359 = arith.constant 6.000000e-01 : f32
      %ge3A_360 = vector.broadcast %ge3A_359 : f32 to vector<16xf32>
      %ge3A_361 = arith.cmpf oge, %get3A_314, %ge3A_360 : vector<16xf32>
      %add3A_362 = arith.addi %select_n3A_358, %broadcast_in_dim3A_135 : vector<16xi32>
      %select_n3A_363 = arith.select %ge3A_361, %add3A_362, %select_n3A_358 : vector<16xi1>, vector<16xi32>
      %ge3A_364 = arith.constant 0.666666686 : f32
      %ge3A_365 = vector.broadcast %ge3A_364 : f32 to vector<16xf32>
      %ge3A_366 = arith.cmpf oge, %get3A_314, %ge3A_365 : vector<16xf32>
      %add3A_367 = arith.addi %select_n3A_363, %broadcast_in_dim3A_135 : vector<16xi32>
      %select_n3A_368 = arith.select %ge3A_366, %add3A_367, %select_n3A_363 : vector<16xi1>, vector<16xi32>
      %ge3A_369 = arith.constant 0.733333349 : f32
      %ge3A_370 = vector.broadcast %ge3A_369 : f32 to vector<16xf32>
      %ge3A_371 = arith.cmpf oge, %get3A_314, %ge3A_370 : vector<16xf32>
      %add3A_372 = arith.addi %select_n3A_368, %broadcast_in_dim3A_135 : vector<16xi32>
      %select_n3A_373 = arith.select %ge3A_371, %add3A_372, %select_n3A_368 : vector<16xi1>, vector<16xi32>
      %ge3A_374 = arith.constant 0.800000071 : f32
      %ge3A_375 = vector.broadcast %ge3A_374 : f32 to vector<16xf32>
      %ge3A_376 = arith.cmpf oge, %get3A_314, %ge3A_375 : vector<16xf32>
      %add3A_377 = arith.addi %select_n3A_373, %broadcast_in_dim3A_135 : vector<16xi32>
      %select_n3A_378 = arith.select %ge3A_376, %add3A_377, %select_n3A_373 : vector<16xi1>, vector<16xi32>
      %ge3A_379 = arith.constant 0.866666734 : f32
      %ge3A_380 = vector.broadcast %ge3A_379 : f32 to vector<16xf32>
      %ge3A_381 = arith.cmpf oge, %get3A_314, %ge3A_380 : vector<16xf32>
      %add3A_382 = arith.addi %select_n3A_378, %broadcast_in_dim3A_135 : vector<16xi32>
      %select_n3A_383 = arith.select %ge3A_381, %add3A_382, %select_n3A_378 : vector<16xi1>, vector<16xi32>
      %ge3A_384 = arith.constant 0.933333396 : f32
      %ge3A_385 = vector.broadcast %ge3A_384 : f32 to vector<16xf32>
      %ge3A_386 = arith.cmpf oge, %get3A_314, %ge3A_385 : vector<16xf32>
      %add3A_387 = arith.addi %select_n3A_383, %broadcast_in_dim3A_135 : vector<16xi32>
      %select_n3A_388 = arith.select %ge3A_386, %add3A_387, %select_n3A_383 : vector<16xi1>, vector<16xi32>
      tpu.vector_store_idx %arg6[%iota3A, %select_n3A_388], %get3A_318 {add = true} : memref<16x16xf32, #tpu.memory_space<vmem>>[vector<16xi32>, vector<16xi32>], vector<16xf32>,
      tpu.vector_store_idx %arg7[%iota3A, %select_n3A_388], %broadcast_in_dim3A_133 {add = true} : memref<16x16xf32, #tpu.memory_space<vmem>>[vector<16xi32>, vector<16xi32>], vector<16xf32>,
    }
    %scan3A_140 = arith.constant 32 : i32
    %broadcast_in_dim3A_141 = arith.constant 0.000000e+00 : f32
    %broadcast_in_dim3A_142 = vector.broadcast %broadcast_in_dim3A_141 : f32 to vector<16xf32>
    %broadcast_in_dim3A_143 = arith.constant 0.000000e+00 : f32
    %broadcast_in_dim3A_144 = vector.broadcast %broadcast_in_dim3A_143 : f32 to vector<16xf32>
    %get3A = arith.constant 0 : i32
    %get3A_145 = arith.index_cast %get3A : i32 to index
    %get3A_146 = arith.constant 0 : index
    %get3A_147 = tpu.vector_load %arg6[%get3A_145, %get3A_146] {strides = array<i32>} : memref<16x16xf32, #tpu.memory_space<vmem>>, vector<16xf32>,
    %add3A_148 = arith.addf %broadcast_in_dim3A_142, %get3A_147 : vector<16xf32>
    %get3A_149 = arith.constant 0 : i32
    %get3A_150 = arith.index_cast %get3A_149 : i32 to index
    %get3A_151 = arith.constant 0 : index
    %get3A_152 = tpu.vector_load %arg7[%get3A_150, %get3A_151] {strides = array<i32>} : memref<16x16xf32, #tpu.memory_space<vmem>>, vector<16xf32>,
    %add3A_153 = arith.addf %broadcast_in_dim3A_144, %get3A_152 : vector<16xf32>
    %get3A_154 = arith.constant 1 : i32
    %get3A_155 = arith.index_cast %get3A_154 : i32 to index
    %get3A_156 = arith.constant 0 : index
    %get3A_157 = tpu.vector_load %arg6[%get3A_155, %get3A_156] {strides = array<i32>} : memref<16x16xf32, #tpu.memory_space<vmem>>, vector<16xf32>,
    %add3A_158 = arith.addf %add3A_148, %get3A_157 : vector<16xf32>
    %get3A_159 = arith.constant 1 : i32
    %get3A_160 = arith.index_cast %get3A_159 : i32 to index
    %get3A_161 = arith.constant 0 : index
    %get3A_162 = tpu.vector_load %arg7[%get3A_160, %get3A_161] {strides = array<i32>} : memref<16x16xf32, #tpu.memory_space<vmem>>, vector<16xf32>,
    %add3A_163 = arith.addf %add3A_153, %get3A_162 : vector<16xf32>
    %get3A_164 = arith.constant 2 : i32
    %get3A_165 = arith.index_cast %get3A_164 : i32 to index
    %get3A_166 = arith.constant 0 : index
    %get3A_167 = tpu.vector_load %arg6[%get3A_165, %get3A_166] {strides = array<i32>} : memref<16x16xf32, #tpu.memory_space<vmem>>, vector<16xf32>,
    %add3A_168 = arith.addf %add3A_158, %get3A_167 : vector<16xf32>
    %get3A_169 = arith.constant 2 : i32
    %get3A_170 = arith.index_cast %get3A_169 : i32 to index
    %get3A_171 = arith.constant 0 : index
    %get3A_172 = tpu.vector_load %arg7[%get3A_170, %get3A_171] {strides = array<i32>} : memref<16x16xf32, #tpu.memory_space<vmem>>, vector<16xf32>,
    %add3A_173 = arith.addf %add3A_163, %get3A_172 : vector<16xf32>
    %get3A_174 = arith.constant 3 : i32
    %get3A_175 = arith.index_cast %get3A_174 : i32 to index
    %get3A_176 = arith.constant 0 : index
    %get3A_177 = tpu.vector_load %arg6[%get3A_175, %get3A_176] {strides = array<i32>} : memref<16x16xf32, #tpu.memory_space<vmem>>, vector<16xf32>,
    %add3A_178 = arith.addf %add3A_168, %get3A_177 : vector<16xf32>
    %get3A_179 = arith.constant 3 : i32
    %get3A_180 = arith.index_cast %get3A_179 : i32 to index
    %get3A_181 = arith.constant 0 : index
    %get3A_182 = tpu.vector_load %arg7[%get3A_180, %get3A_181] {strides = array<i32>} : memref<16x16xf32, #tpu.memory_space<vmem>>, vector<16xf32>,
    %add3A_183 = arith.addf %add3A_173, %get3A_182 : vector<16xf32>
    %get3A_184 = arith.constant 4 : i32
    %get3A_185 = arith.index_cast %get3A_184 : i32 to index
    %get3A_186 = arith.constant 0 : index
    %get3A_187 = tpu.vector_load %arg6[%get3A_185, %get3A_186] {strides = array<i32>} : memref<16x16xf32, #tpu.memory_space<vmem>>, vector<16xf32>,
    %add3A_188 = arith.addf %add3A_178, %get3A_187 : vector<16xf32>
    %get3A_189 = arith.constant 4 : i32
    %get3A_190 = arith.index_cast %get3A_189 : i32 to index
    %get3A_191 = arith.constant 0 : index
    %get3A_192 = tpu.vector_load %arg7[%get3A_190, %get3A_191] {strides = array<i32>} : memref<16x16xf32, #tpu.memory_space<vmem>>, vector<16xf32>,
    %add3A_193 = arith.addf %add3A_183, %get3A_192 : vector<16xf32>
    %get3A_194 = arith.constant 5 : i32
    %get3A_195 = arith.index_cast %get3A_194 : i32 to index
    %get3A_196 = arith.constant 0 : index
    %get3A_197 = tpu.vector_load %arg6[%get3A_195, %get3A_196] {strides = array<i32>} : memref<16x16xf32, #tpu.memory_space<vmem>>, vector<16xf32>,
    %add3A_198 = arith.addf %add3A_188, %get3A_197 : vector<16xf32>
    %get3A_199 = arith.constant 5 : i32
    %get3A_200 = arith.index_cast %get3A_199 : i32 to index
    %get3A_201 = arith.constant 0 : index
    %get3A_202 = tpu.vector_load %arg7[%get3A_200, %get3A_201] {strides = array<i32>} : memref<16x16xf32, #tpu.memory_space<vmem>>, vector<16xf32>,
    %add3A_203 = arith.addf %add3A_193, %get3A_202 : vector<16xf32>
    %get3A_204 = arith.constant 6 : i32
    %get3A_205 = arith.index_cast %get3A_204 : i32 to index
    %get3A_206 = arith.constant 0 : index
    %get3A_207 = tpu.vector_load %arg6[%get3A_205, %get3A_206] {strides = array<i32>} : memref<16x16xf32, #tpu.memory_space<vmem>>, vector<16xf32>,
    %add3A_208 = arith.addf %add3A_198, %get3A_207 : vector<16xf32>
    %get3A_209 = arith.constant 6 : i32
    %get3A_210 = arith.index_cast %get3A_209 : i32 to index
    %get3A_211 = arith.constant 0 : index
    %get3A_212 = tpu.vector_load %arg7[%get3A_210, %get3A_211] {strides = array<i32>} : memref<16x16xf32, #tpu.memory_space<vmem>>, vector<16xf32>,
    %add3A_213 = arith.addf %add3A_203, %get3A_212 : vector<16xf32>
    %get3A_214 = arith.constant 7 : i32
    %get3A_215 = arith.index_cast %get3A_214 : i32 to index
    %get3A_216 = arith.constant 0 : index
    %get3A_217 = tpu.vector_load %arg6[%get3A_215, %get3A_216] {strides = array<i32>} : memref<16x16xf32, #tpu.memory_space<vmem>>, vector<16xf32>,
    %add3A_218 = arith.addf %add3A_208, %get3A_217 : vector<16xf32>
    %get3A_219 = arith.constant 7 : i32
    %get3A_220 = arith.index_cast %get3A_219 : i32 to index
    %get3A_221 = arith.constant 0 : index
    %get3A_222 = tpu.vector_load %arg7[%get3A_220, %get3A_221] {strides = array<i32>} : memref<16x16xf32, #tpu.memory_space<vmem>>, vector<16xf32>,
    %add3A_223 = arith.addf %add3A_213, %get3A_222 : vector<16xf32>
    %get3A_224 = arith.constant 8 : i32
    %get3A_225 = arith.index_cast %get3A_224 : i32 to index
    %get3A_226 = arith.constant 0 : index
    %get3A_227 = tpu.vector_load %arg6[%get3A_225, %get3A_226] {strides = array<i32>} : memref<16x16xf32, #tpu.memory_space<vmem>>, vector<16xf32>,
    %add3A_228 = arith.addf %add3A_218, %get3A_227 : vector<16xf32>
    %get3A_229 = arith.constant 8 : i32
    %get3A_230 = arith.index_cast %get3A_229 : i32 to index
    %get3A_231 = arith.constant 0 : index
    %get3A_232 = tpu.vector_load %arg7[%get3A_230, %get3A_231] {strides = array<i32>} : memref<16x16xf32, #tpu.memory_space<vmem>>, vector<16xf32>,
    %add3A_233 = arith.addf %add3A_223, %get3A_232 : vector<16xf32>
    %get3A_234 = arith.constant 9 : i32
    %get3A_235 = arith.index_cast %get3A_234 : i32 to index
    %get3A_236 = arith.constant 0 : index
    %get3A_237 = tpu.vector_load %arg6[%get3A_235, %get3A_236] {strides = array<i32>} : memref<16x16xf32, #tpu.memory_space<vmem>>, vector<16xf32>,
    %add3A_238 = arith.addf %add3A_228, %get3A_237 : vector<16xf32>
    %get3A_239 = arith.constant 9 : i32
    %get3A_240 = arith.index_cast %get3A_239 : i32 to index
    %get3A_241 = arith.constant 0 : index
    %get3A_242 = tpu.vector_load %arg7[%get3A_240, %get3A_241] {strides = array<i32>} : memref<16x16xf32, #tpu.memory_space<vmem>>, vector<16xf32>,
    %add3A_243 = arith.addf %add3A_233, %get3A_242 : vector<16xf32>
    %get3A_244 = arith.constant 10 : i32
    %get3A_245 = arith.index_cast %get3A_244 : i32 to index
    %get3A_246 = arith.constant 0 : index
    %get3A_247 = tpu.vector_load %arg6[%get3A_245, %get3A_246] {strides = array<i32>} : memref<16x16xf32, #tpu.memory_space<vmem>>, vector<16xf32>,
    %add3A_248 = arith.addf %add3A_238, %get3A_247 : vector<16xf32>
    %get3A_249 = arith.constant 10 : i32
    %get3A_250 = arith.index_cast %get3A_249 : i32 to index
    %get3A_251 = arith.constant 0 : index
    %get3A_252 = tpu.vector_load %arg7[%get3A_250, %get3A_251] {strides = array<i32>} : memref<16x16xf32, #tpu.memory_space<vmem>>, vector<16xf32>,
    %add3A_253 = arith.addf %add3A_243, %get3A_252 : vector<16xf32>
    %get3A_254 = arith.constant 11 : i32
    %get3A_255 = arith.index_cast %get3A_254 : i32 to index
    %get3A_256 = arith.constant 0 : index
    %get3A_257 = tpu.vector_load %arg6[%get3A_255, %get3A_256] {strides = array<i32>} : memref<16x16xf32, #tpu.memory_space<vmem>>, vector<16xf32>,
    %add3A_258 = arith.addf %add3A_248, %get3A_257 : vector<16xf32>
    %get3A_259 = arith.constant 11 : i32
    %get3A_260 = arith.index_cast %get3A_259 : i32 to index
    %get3A_261 = arith.constant 0 : index
    %get3A_262 = tpu.vector_load %arg7[%get3A_260, %get3A_261] {strides = array<i32>} : memref<16x16xf32, #tpu.memory_space<vmem>>, vector<16xf32>,
    %add3A_263 = arith.addf %add3A_253, %get3A_262 : vector<16xf32>
    %get3A_264 = arith.constant 12 : i32
    %get3A_265 = arith.index_cast %get3A_264 : i32 to index
    %get3A_266 = arith.constant 0 : index
    %get3A_267 = tpu.vector_load %arg6[%get3A_265, %get3A_266] {strides = array<i32>} : memref<16x16xf32, #tpu.memory_space<vmem>>, vector<16xf32>,
    %add3A_268 = arith.addf %add3A_258, %get3A_267 : vector<16xf32>
    %get3A_269 = arith.constant 12 : i32
    %get3A_270 = arith.index_cast %get3A_269 : i32 to index
    %get3A_271 = arith.constant 0 : index
    %get3A_272 = tpu.vector_load %arg7[%get3A_270, %get3A_271] {strides = array<i32>} : memref<16x16xf32, #tpu.memory_space<vmem>>, vector<16xf32>,
    %add3A_273 = arith.addf %add3A_263, %get3A_272 : vector<16xf32>
    %get3A_274 = arith.constant 13 : i32
    %get3A_275 = arith.index_cast %get3A_274 : i32 to index
    %get3A_276 = arith.constant 0 : index
    %get3A_277 = tpu.vector_load %arg6[%get3A_275, %get3A_276] {strides = array<i32>} : memref<16x16xf32, #tpu.memory_space<vmem>>, vector<16xf32>,
    %add3A_278 = arith.addf %add3A_268, %get3A_277 : vector<16xf32>
    %get3A_279 = arith.constant 13 : i32
    %get3A_280 = arith.index_cast %get3A_279 : i32 to index
    %get3A_281 = arith.constant 0 : index
    %get3A_282 = tpu.vector_load %arg7[%get3A_280, %get3A_281] {strides = array<i32>} : memref<16x16xf32, #tpu.memory_space<vmem>>, vector<16xf32>,
    %add3A_283 = arith.addf %add3A_273, %get3A_282 : vector<16xf32>
    %get3A_284 = arith.constant 14 : i32
    %get3A_285 = arith.index_cast %get3A_284 : i32 to index
    %get3A_286 = arith.constant 0 : index
    %get3A_287 = tpu.vector_load %arg6[%get3A_285, %get3A_286] {strides = array<i32>} : memref<16x16xf32, #tpu.memory_space<vmem>>, vector<16xf32>,
    %add3A_288 = arith.addf %add3A_278, %get3A_287 : vector<16xf32>
    %get3A_289 = arith.constant 14 : i32
    %get3A_290 = arith.index_cast %get3A_289 : i32 to index
    %get3A_291 = arith.constant 0 : index
    %get3A_292 = tpu.vector_load %arg7[%get3A_290, %get3A_291] {strides = array<i32>} : memref<16x16xf32, #tpu.memory_space<vmem>>, vector<16xf32>,
    %add3A_293 = arith.addf %add3A_283, %get3A_292 : vector<16xf32>
    %get3A_294 = arith.constant 15 : i32
    %get3A_295 = arith.index_cast %get3A_294 : i32 to index
    %get3A_296 = arith.constant 0 : index
    %get3A_297 = tpu.vector_load %arg6[%get3A_295, %get3A_296] {strides = array<i32>} : memref<16x16xf32, #tpu.memory_space<vmem>>, vector<16xf32>,
    %add3A_298 = arith.addf %add3A_288, %get3A_297 : vector<16xf32>
    %get3A_299 = arith.constant 15 : i32
    %get3A_300 = arith.index_cast %get3A_299 : i32 to index
    %get3A_301 = arith.constant 0 : index
    %get3A_302 = tpu.vector_load %arg7[%get3A_300, %get3A_301] {strides = array<i32>} : memref<16x16xf32, #tpu.memory_space<vmem>>, vector<16xf32>,
    %add3A_303 = arith.addf %add3A_293, %get3A_302 : vector<16xf32>
    %swap3A_304 = arith.constant 0 : index
    %swap3A_305 = tpu.vector_load %arg8[%swap3A_304] {strides = array<i32>} : memref<16xf32, #tpu.memory_space<vmem>>, vector<16xf32>,
    tpu.vector_store %arg8[%swap3A_304], %add3A_298 {strides = array<i32>} : memref<16xf32, #tpu.memory_space<vmem>>, vector<16xf32>,
    %run_scoped3A_306 = arith.constant 0 : i32
    "tpu.region"() ({
      %run_scoped3A_310 = tpu.sem_alloc : memref<!tpu.dma_semaphore, #tpu.memory_space<semaphore_mem>>
      %dma_start3A = arith.constant 0 : i32
      %dma_start3A_311 = tpu.memref_slice %arg3[%add3A, %run_scoped3A_306, %dma_start3A] : memref<32x2x16xf32, #tpu.memory_space<hbm>> -> memref<1x1x16xf32, #tpu.memory_space<hbm>>
      %dma_start3A_312 = tpu.memref_squeeze %dma_start3A_311 : memref<1x1x16xf32, #tpu.memory_space<hbm>> -> memref<16xf32, #tpu.memory_space<hbm>>
      %dma_start3A_313 = arith.constant 0 : i32
      %dma_start3A_314 = tpu.memref_slice %arg3[%add3A, %run_scoped3A_306, %dma_start3A_313] : memref<32x2x16xf32, #tpu.memory_space<hbm>> -> memref<1x1x16xf32, #tpu.memory_space<hbm>>
      %dma_start3A_315 = tpu.memref_squeeze %dma_start3A_314 : memref<1x1x16xf32, #tpu.memory_space<hbm>> -> memref<16xf32, #tpu.memory_space<hbm>>
      tpu.enqueue_dma source(%arg8 : memref<16xf32, #tpu.memory_space<vmem>>) target(%dma_start3A_315 : memref<16xf32, #tpu.memory_space<hbm>>) target_semaphore(%run_scoped3A_310 : memref<!tpu.dma_semaphore, #tpu.memory_space<semaphore_mem>>)
      %dma_wait3A = arith.constant 0 : i32
      %dma_wait3A_316 = tpu.memref_slice %arg3[%add3A, %run_scoped3A_306, %dma_wait3A] : memref<32x2x16xf32, #tpu.memory_space<hbm>> -> memref<1x1x16xf32, #tpu.memory_space<hbm>>
      %dma_wait3A_317 = tpu.memref_squeeze %dma_wait3A_316 : memref<1x1x16xf32, #tpu.memory_space<hbm>> -> memref<16xf32, #tpu.memory_space<hbm>>
      %dma_wait3A_318 = arith.constant 0 : i32
      %dma_wait3A_319 = tpu.memref_slice %arg3[%add3A, %run_scoped3A_306, %dma_wait3A_318] : memref<32x2x16xf32, #tpu.memory_space<hbm>> -> memref<1x1x16xf32, #tpu.memory_space<hbm>>
      %dma_wait3A_320 = tpu.memref_squeeze %dma_wait3A_319 : memref<1x1x16xf32, #tpu.memory_space<hbm>> -> memref<16xf32, #tpu.memory_space<hbm>>
      tpu.wait_dma2 semaphore(%run_scoped3A_310 : memref<!tpu.dma_semaphore, #tpu.memory_space<semaphore_mem>>) src(%arg8 : memref<16xf32, #tpu.memory_space<vmem>>) dst(%dma_wait3A_320 : memref<16xf32, #tpu.memory_space<hbm>>)
      tpu.yield
    }) : () -> ()
    %sub3A = arith.subf %add3A_303, %add3A_298 : vector<16xf32>
    %swap3A_307 = arith.constant 0 : index
    %swap3A_308 = tpu.vector_load %arg8[%swap3A_307] {strides = array<i32>} : memref<16xf32, #tpu.memory_space<vmem>>, vector<16xf32>,
    tpu.vector_store %arg8[%swap3A_307], %sub3A {strides = array<i32>} : memref<16xf32, #tpu.memory_space<vmem>>, vector<16xf32>,
    %run_scoped3A_309 = arith.constant 1 : i32
    "tpu.region"() ({
      %run_scoped3A_310 = tpu.sem_alloc : memref<!tpu.dma_semaphore, #tpu.memory_space<semaphore_mem>>
      %dma_start3A = arith.constant 0 : i32
      %dma_start3A_311 = tpu.memref_slice %arg3[%add3A, %run_scoped3A_309, %dma_start3A] : memref<32x2x16xf32, #tpu.memory_space<hbm>> -> memref<1x1x16xf32, #tpu.memory_space<hbm>>
      %dma_start3A_312 = tpu.memref_squeeze %dma_start3A_311 : memref<1x1x16xf32, #tpu.memory_space<hbm>> -> memref<16xf32, #tpu.memory_space<hbm>>
      %dma_start3A_313 = arith.constant 0 : i32
      %dma_start3A_314 = tpu.memref_slice %arg3[%add3A, %run_scoped3A_309, %dma_start3A_313] : memref<32x2x16xf32, #tpu.memory_space<hbm>> -> memref<1x1x16xf32, #tpu.memory_space<hbm>>
      %dma_start3A_315 = tpu.memref_squeeze %dma_start3A_314 : memref<1x1x16xf32, #tpu.memory_space<hbm>> -> memref<16xf32, #tpu.memory_space<hbm>>
      tpu.enqueue_dma source(%arg8 : memref<16xf32, #tpu.memory_space<vmem>>) target(%dma_start3A_315 : memref<16xf32, #tpu.memory_space<hbm>>) target_semaphore(%run_scoped3A_310 : memref<!tpu.dma_semaphore, #tpu.memory_space<semaphore_mem>>)
      %dma_wait3A = arith.constant 0 : i32
      %dma_wait3A_316 = tpu.memref_slice %arg3[%add3A, %run_scoped3A_309, %dma_wait3A] : memref<32x2x16xf32, #tpu.memory_space<hbm>> -> memref<1x1x16xf32, #tpu.memory_space<hbm>>
      %dma_wait3A_317 = tpu.memref_squeeze %dma_wait3A_316 : memref<1x1x16xf32, #tpu.memory_space<hbm>> -> memref<16xf32, #tpu.memory_space<hbm>>
      %dma_wait3A_318 = arith.constant 0 : i32
      %dma_wait3A_319 = tpu.memref_slice %arg3[%add3A, %run_scoped3A_309, %dma_wait3A_318] : memref<32x2x16xf32, #tpu.memory_space<hbm>> -> memref<1x1x16xf32, #tpu.memory_space<hbm>>
      %dma_wait3A_320 = tpu.memref_squeeze %dma_wait3A_319 : memref<1x1x16xf32, #tpu.memory_space<hbm>> -> memref<16xf32, #tpu.memory_space<hbm>>
      tpu.wait_dma2 semaphore(%run_scoped3A_310 : memref<!tpu.dma_semaphore, #tpu.memory_space<semaphore_mem>>) src(%arg8 : memref<16xf32, #tpu.memory_space<vmem>>) dst(%dma_wait3A_320 : memref<16xf32, #tpu.memory_space<hbm>>)
      tpu.yield
    }) : () -> ()
    return
  }
}

module attributes {stable_mosaic.version = 14 : i64} {
  func.func @_tc_body(%arg0: i32, %arg1: memref<1000x2048xf32, #tpu.memory_space<vmem>>, %arg2: memref<1x2048xi32, #tpu.memory_space<vmem>>, %arg3: memref<2x2048xf32, #tpu.memory_space<vmem>>) attributes {dimension_semantics = [#tpu.dimension_semantics<arbitrary>], iteration_bounds = array<i64: 8>, scalar_prefetch = 0 : i64, scratch_operands = 0 : i64, tpu.core_type = #tpu.core_type<tc>, window_params = [{transform_indices = @transform_0, window_bounds = array<i64: 1000, 2048>}, {transform_indices = @transform_1, window_bounds = array<i64: 1, 2048>}, {transform_indices = @transform_2, window_bounds = array<i64: 2, 2048>}]} {
    %iota3A = tpu.iota {dimensions = array<i32: 0>} : vector<8x2048xi32>
    %broadcast_in_dim3A = arith.constant 0.000000e+00 : f32
    %broadcast_in_dim3A_0 = vector.broadcast %broadcast_in_dim3A : f32 to vector<8x2048xf32>
    %broadcast_in_dim3A_1 = arith.constant 0.000000e+00 : f32
    %broadcast_in_dim3A_2 = vector.broadcast %broadcast_in_dim3A_1 : f32 to vector<8x2048xf32>
    %broadcast_in_dim3A_3 = arith.constant 1000 : i32
    %broadcast_in_dim3A_4 = vector.broadcast %broadcast_in_dim3A_3 : i32 to vector<8x2048xi32>
    %get3A = arith.constant 0 : index
    %get3A_5 = arith.constant 0 : index
    %get3A_6 = vector.load %arg1[%get3A, %get3A_5] : memref<1000x2048xf32, #tpu.memory_space<vmem>>, vector<8x2048xf32>
    %exp3A = math.exp %get3A_6 : vector<8x2048xf32>
    %add3A = arith.addf %broadcast_in_dim3A_2, %exp3A : vector<8x2048xf32>
    %gt3A = arith.cmpf ogt, %exp3A, %broadcast_in_dim3A_0 : vector<8x2048xf32>
    %add3A_7 = arith.constant 0 : i32
    %add3A_8 = vector.broadcast %add3A_7 : i32 to vector<8x2048xi32>
    %add3A_9 = arith.addi %iota3A, %add3A_8 : vector<8x2048xi32>
    %select_n3A = arith.select %gt3A, %add3A_9, %broadcast_in_dim3A_4 : vector<8x2048xi1>, vector<8x2048xi32>
    %max3A = arith.maximumf %broadcast_in_dim3A_0, %exp3A : vector<8x2048xf32>
    %get3A_10 = arith.constant 8 : index
    %get3A_11 = arith.constant 0 : index
    %get3A_12 = vector.load %arg1[%get3A_10, %get3A_11] : memref<1000x2048xf32, #tpu.memory_space<vmem>>, vector<8x2048xf32>
    %exp3A_13 = math.exp %get3A_12 : vector<8x2048xf32>
    %add3A_14 = arith.addf %add3A, %exp3A_13 : vector<8x2048xf32>
    %gt3A_15 = arith.cmpf ogt, %exp3A_13, %max3A : vector<8x2048xf32>
    %add3A_16 = arith.constant 8 : i32
    %add3A_17 = vector.broadcast %add3A_16 : i32 to vector<8x2048xi32>
    %add3A_18 = arith.addi %iota3A, %add3A_17 : vector<8x2048xi32>
    %select_n3A_19 = arith.select %gt3A_15, %add3A_18, %select_n3A : vector<8x2048xi1>, vector<8x2048xi32>
    %max3A_20 = arith.maximumf %max3A, %exp3A_13 : vector<8x2048xf32>
    %get3A_21 = arith.constant 16 : index
    %get3A_22 = arith.constant 0 : index
    %get3A_23 = vector.load %arg1[%get3A_21, %get3A_22] : memref<1000x2048xf32, #tpu.memory_space<vmem>>, vector<8x2048xf32>
    %exp3A_24 = math.exp %get3A_23 : vector<8x2048xf32>
    %add3A_25 = arith.addf %add3A_14, %exp3A_24 : vector<8x2048xf32>
    %gt3A_26 = arith.cmpf ogt, %exp3A_24, %max3A_20 : vector<8x2048xf32>
    %add3A_27 = arith.constant 16 : i32
    %add3A_28 = vector.broadcast %add3A_27 : i32 to vector<8x2048xi32>
    %add3A_29 = arith.addi %iota3A, %add3A_28 : vector<8x2048xi32>
    %select_n3A_30 = arith.select %gt3A_26, %add3A_29, %select_n3A_19 : vector<8x2048xi1>, vector<8x2048xi32>
    %max3A_31 = arith.maximumf %max3A_20, %exp3A_24 : vector<8x2048xf32>
    %get3A_32 = arith.constant 24 : index
    %get3A_33 = arith.constant 0 : index
    %get3A_34 = vector.load %arg1[%get3A_32, %get3A_33] : memref<1000x2048xf32, #tpu.memory_space<vmem>>, vector<8x2048xf32>
    %exp3A_35 = math.exp %get3A_34 : vector<8x2048xf32>
    %add3A_36 = arith.addf %add3A_25, %exp3A_35 : vector<8x2048xf32>
    %gt3A_37 = arith.cmpf ogt, %exp3A_35, %max3A_31 : vector<8x2048xf32>
    %add3A_38 = arith.constant 24 : i32
    %add3A_39 = vector.broadcast %add3A_38 : i32 to vector<8x2048xi32>
    %add3A_40 = arith.addi %iota3A, %add3A_39 : vector<8x2048xi32>
    %select_n3A_41 = arith.select %gt3A_37, %add3A_40, %select_n3A_30 : vector<8x2048xi1>, vector<8x2048xi32>
    %max3A_42 = arith.maximumf %max3A_31, %exp3A_35 : vector<8x2048xf32>
    %get3A_43 = arith.constant 32 : index
    %get3A_44 = arith.constant 0 : index
    %get3A_45 = vector.load %arg1[%get3A_43, %get3A_44] : memref<1000x2048xf32, #tpu.memory_space<vmem>>, vector<8x2048xf32>
    %exp3A_46 = math.exp %get3A_45 : vector<8x2048xf32>
    %add3A_47 = arith.addf %add3A_36, %exp3A_46 : vector<8x2048xf32>
    %gt3A_48 = arith.cmpf ogt, %exp3A_46, %max3A_42 : vector<8x2048xf32>
    %add3A_49 = arith.constant 32 : i32
    %add3A_50 = vector.broadcast %add3A_49 : i32 to vector<8x2048xi32>
    %add3A_51 = arith.addi %iota3A, %add3A_50 : vector<8x2048xi32>
    %select_n3A_52 = arith.select %gt3A_48, %add3A_51, %select_n3A_41 : vector<8x2048xi1>, vector<8x2048xi32>
    %max3A_53 = arith.maximumf %max3A_42, %exp3A_46 : vector<8x2048xf32>
    %get3A_54 = arith.constant 40 : index
    %get3A_55 = arith.constant 0 : index
    %get3A_56 = vector.load %arg1[%get3A_54, %get3A_55] : memref<1000x2048xf32, #tpu.memory_space<vmem>>, vector<8x2048xf32>
    %exp3A_57 = math.exp %get3A_56 : vector<8x2048xf32>
    %add3A_58 = arith.addf %add3A_47, %exp3A_57 : vector<8x2048xf32>
    %gt3A_59 = arith.cmpf ogt, %exp3A_57, %max3A_53 : vector<8x2048xf32>
    %add3A_60 = arith.constant 40 : i32
    %add3A_61 = vector.broadcast %add3A_60 : i32 to vector<8x2048xi32>
    %add3A_62 = arith.addi %iota3A, %add3A_61 : vector<8x2048xi32>
    %select_n3A_63 = arith.select %gt3A_59, %add3A_62, %select_n3A_52 : vector<8x2048xi1>, vector<8x2048xi32>
    %max3A_64 = arith.maximumf %max3A_53, %exp3A_57 : vector<8x2048xf32>
    %get3A_65 = arith.constant 48 : index
    %get3A_66 = arith.constant 0 : index
    %get3A_67 = vector.load %arg1[%get3A_65, %get3A_66] : memref<1000x2048xf32, #tpu.memory_space<vmem>>, vector<8x2048xf32>
    %exp3A_68 = math.exp %get3A_67 : vector<8x2048xf32>
    %add3A_69 = arith.addf %add3A_58, %exp3A_68 : vector<8x2048xf32>
    %gt3A_70 = arith.cmpf ogt, %exp3A_68, %max3A_64 : vector<8x2048xf32>
    %add3A_71 = arith.constant 48 : i32
    %add3A_72 = vector.broadcast %add3A_71 : i32 to vector<8x2048xi32>
    %add3A_73 = arith.addi %iota3A, %add3A_72 : vector<8x2048xi32>
    %select_n3A_74 = arith.select %gt3A_70, %add3A_73, %select_n3A_63 : vector<8x2048xi1>, vector<8x2048xi32>
    %max3A_75 = arith.maximumf %max3A_64, %exp3A_68 : vector<8x2048xf32>
    %get3A_76 = arith.constant 56 : index
    %get3A_77 = arith.constant 0 : index
    %get3A_78 = vector.load %arg1[%get3A_76, %get3A_77] : memref<1000x2048xf32, #tpu.memory_space<vmem>>, vector<8x2048xf32>
    %exp3A_79 = math.exp %get3A_78 : vector<8x2048xf32>
    %add3A_80 = arith.addf %add3A_69, %exp3A_79 : vector<8x2048xf32>
    %gt3A_81 = arith.cmpf ogt, %exp3A_79, %max3A_75 : vector<8x2048xf32>
    %add3A_82 = arith.constant 56 : i32
    %add3A_83 = vector.broadcast %add3A_82 : i32 to vector<8x2048xi32>
    %add3A_84 = arith.addi %iota3A, %add3A_83 : vector<8x2048xi32>
    %select_n3A_85 = arith.select %gt3A_81, %add3A_84, %select_n3A_74 : vector<8x2048xi1>, vector<8x2048xi32>
    %max3A_86 = arith.maximumf %max3A_75, %exp3A_79 : vector<8x2048xf32>
    %get3A_87 = arith.constant 64 : index
    %get3A_88 = arith.constant 0 : index
    %get3A_89 = vector.load %arg1[%get3A_87, %get3A_88] : memref<1000x2048xf32, #tpu.memory_space<vmem>>, vector<8x2048xf32>
    %exp3A_90 = math.exp %get3A_89 : vector<8x2048xf32>
    %add3A_91 = arith.addf %add3A_80, %exp3A_90 : vector<8x2048xf32>
    %gt3A_92 = arith.cmpf ogt, %exp3A_90, %max3A_86 : vector<8x2048xf32>
    %add3A_93 = arith.constant 64 : i32
    %add3A_94 = vector.broadcast %add3A_93 : i32 to vector<8x2048xi32>
    %add3A_95 = arith.addi %iota3A, %add3A_94 : vector<8x2048xi32>
    %select_n3A_96 = arith.select %gt3A_92, %add3A_95, %select_n3A_85 : vector<8x2048xi1>, vector<8x2048xi32>
    %max3A_97 = arith.maximumf %max3A_86, %exp3A_90 : vector<8x2048xf32>
    %get3A_98 = arith.constant 72 : index
    %get3A_99 = arith.constant 0 : index
    %get3A_100 = vector.load %arg1[%get3A_98, %get3A_99] : memref<1000x2048xf32, #tpu.memory_space<vmem>>, vector<8x2048xf32>
    %exp3A_101 = math.exp %get3A_100 : vector<8x2048xf32>
    %add3A_102 = arith.addf %add3A_91, %exp3A_101 : vector<8x2048xf32>
    %gt3A_103 = arith.cmpf ogt, %exp3A_101, %max3A_97 : vector<8x2048xf32>
    %add3A_104 = arith.constant 72 : i32
    %add3A_105 = vector.broadcast %add3A_104 : i32 to vector<8x2048xi32>
    %add3A_106 = arith.addi %iota3A, %add3A_105 : vector<8x2048xi32>
    %select_n3A_107 = arith.select %gt3A_103, %add3A_106, %select_n3A_96 : vector<8x2048xi1>, vector<8x2048xi32>
    %max3A_108 = arith.maximumf %max3A_97, %exp3A_101 : vector<8x2048xf32>
    %get3A_109 = arith.constant 80 : index
    %get3A_110 = arith.constant 0 : index
    %get3A_111 = vector.load %arg1[%get3A_109, %get3A_110] : memref<1000x2048xf32, #tpu.memory_space<vmem>>, vector<8x2048xf32>
    %exp3A_112 = math.exp %get3A_111 : vector<8x2048xf32>
    %add3A_113 = arith.addf %add3A_102, %exp3A_112 : vector<8x2048xf32>
    %gt3A_114 = arith.cmpf ogt, %exp3A_112, %max3A_108 : vector<8x2048xf32>
    %add3A_115 = arith.constant 80 : i32
    %add3A_116 = vector.broadcast %add3A_115 : i32 to vector<8x2048xi32>
    %add3A_117 = arith.addi %iota3A, %add3A_116 : vector<8x2048xi32>
    %select_n3A_118 = arith.select %gt3A_114, %add3A_117, %select_n3A_107 : vector<8x2048xi1>, vector<8x2048xi32>
    %max3A_119 = arith.maximumf %max3A_108, %exp3A_112 : vector<8x2048xf32>
    %get3A_120 = arith.constant 88 : index
    %get3A_121 = arith.constant 0 : index
    %get3A_122 = vector.load %arg1[%get3A_120, %get3A_121] : memref<1000x2048xf32, #tpu.memory_space<vmem>>, vector<8x2048xf32>
    %exp3A_123 = math.exp %get3A_122 : vector<8x2048xf32>
    %add3A_124 = arith.addf %add3A_113, %exp3A_123 : vector<8x2048xf32>
    %gt3A_125 = arith.cmpf ogt, %exp3A_123, %max3A_119 : vector<8x2048xf32>
    %add3A_126 = arith.constant 88 : i32
    %add3A_127 = vector.broadcast %add3A_126 : i32 to vector<8x2048xi32>
    %add3A_128 = arith.addi %iota3A, %add3A_127 : vector<8x2048xi32>
    %select_n3A_129 = arith.select %gt3A_125, %add3A_128, %select_n3A_118 : vector<8x2048xi1>, vector<8x2048xi32>
    %max3A_130 = arith.maximumf %max3A_119, %exp3A_123 : vector<8x2048xf32>
    %get3A_131 = arith.constant 96 : index
    %get3A_132 = arith.constant 0 : index
    %get3A_133 = vector.load %arg1[%get3A_131, %get3A_132] : memref<1000x2048xf32, #tpu.memory_space<vmem>>, vector<8x2048xf32>
    %exp3A_134 = math.exp %get3A_133 : vector<8x2048xf32>
    %add3A_135 = arith.addf %add3A_124, %exp3A_134 : vector<8x2048xf32>
    %gt3A_136 = arith.cmpf ogt, %exp3A_134, %max3A_130 : vector<8x2048xf32>
    %add3A_137 = arith.constant 96 : i32
    %add3A_138 = vector.broadcast %add3A_137 : i32 to vector<8x2048xi32>
    %add3A_139 = arith.addi %iota3A, %add3A_138 : vector<8x2048xi32>
    %select_n3A_140 = arith.select %gt3A_136, %add3A_139, %select_n3A_129 : vector<8x2048xi1>, vector<8x2048xi32>
    %max3A_141 = arith.maximumf %max3A_130, %exp3A_134 : vector<8x2048xf32>
    %get3A_142 = arith.constant 104 : index
    %get3A_143 = arith.constant 0 : index
    %get3A_144 = vector.load %arg1[%get3A_142, %get3A_143] : memref<1000x2048xf32, #tpu.memory_space<vmem>>, vector<8x2048xf32>
    %exp3A_145 = math.exp %get3A_144 : vector<8x2048xf32>
    %add3A_146 = arith.addf %add3A_135, %exp3A_145 : vector<8x2048xf32>
    %gt3A_147 = arith.cmpf ogt, %exp3A_145, %max3A_141 : vector<8x2048xf32>
    %add3A_148 = arith.constant 104 : i32
    %add3A_149 = vector.broadcast %add3A_148 : i32 to vector<8x2048xi32>
    %add3A_150 = arith.addi %iota3A, %add3A_149 : vector<8x2048xi32>
    %select_n3A_151 = arith.select %gt3A_147, %add3A_150, %select_n3A_140 : vector<8x2048xi1>, vector<8x2048xi32>
    %max3A_152 = arith.maximumf %max3A_141, %exp3A_145 : vector<8x2048xf32>
    %get3A_153 = arith.constant 112 : index
    %get3A_154 = arith.constant 0 : index
    %get3A_155 = vector.load %arg1[%get3A_153, %get3A_154] : memref<1000x2048xf32, #tpu.memory_space<vmem>>, vector<8x2048xf32>
    %exp3A_156 = math.exp %get3A_155 : vector<8x2048xf32>
    %add3A_157 = arith.addf %add3A_146, %exp3A_156 : vector<8x2048xf32>
    %gt3A_158 = arith.cmpf ogt, %exp3A_156, %max3A_152 : vector<8x2048xf32>
    %add3A_159 = arith.constant 112 : i32
    %add3A_160 = vector.broadcast %add3A_159 : i32 to vector<8x2048xi32>
    %add3A_161 = arith.addi %iota3A, %add3A_160 : vector<8x2048xi32>
    %select_n3A_162 = arith.select %gt3A_158, %add3A_161, %select_n3A_151 : vector<8x2048xi1>, vector<8x2048xi32>
    %max3A_163 = arith.maximumf %max3A_152, %exp3A_156 : vector<8x2048xf32>
    %get3A_164 = arith.constant 120 : index
    %get3A_165 = arith.constant 0 : index
    %get3A_166 = vector.load %arg1[%get3A_164, %get3A_165] : memref<1000x2048xf32, #tpu.memory_space<vmem>>, vector<8x2048xf32>
    %exp3A_167 = math.exp %get3A_166 : vector<8x2048xf32>
    %add3A_168 = arith.addf %add3A_157, %exp3A_167 : vector<8x2048xf32>
    %gt3A_169 = arith.cmpf ogt, %exp3A_167, %max3A_163 : vector<8x2048xf32>
    %add3A_170 = arith.constant 120 : i32
    %add3A_171 = vector.broadcast %add3A_170 : i32 to vector<8x2048xi32>
    %add3A_172 = arith.addi %iota3A, %add3A_171 : vector<8x2048xi32>
    %select_n3A_173 = arith.select %gt3A_169, %add3A_172, %select_n3A_162 : vector<8x2048xi1>, vector<8x2048xi32>
    %max3A_174 = arith.maximumf %max3A_163, %exp3A_167 : vector<8x2048xf32>
    %get3A_175 = arith.constant 128 : index
    %get3A_176 = arith.constant 0 : index
    %get3A_177 = vector.load %arg1[%get3A_175, %get3A_176] : memref<1000x2048xf32, #tpu.memory_space<vmem>>, vector<8x2048xf32>
    %exp3A_178 = math.exp %get3A_177 : vector<8x2048xf32>
    %add3A_179 = arith.addf %add3A_168, %exp3A_178 : vector<8x2048xf32>
    %gt3A_180 = arith.cmpf ogt, %exp3A_178, %max3A_174 : vector<8x2048xf32>
    %add3A_181 = arith.constant 128 : i32
    %add3A_182 = vector.broadcast %add3A_181 : i32 to vector<8x2048xi32>
    %add3A_183 = arith.addi %iota3A, %add3A_182 : vector<8x2048xi32>
    %select_n3A_184 = arith.select %gt3A_180, %add3A_183, %select_n3A_173 : vector<8x2048xi1>, vector<8x2048xi32>
    %max3A_185 = arith.maximumf %max3A_174, %exp3A_178 : vector<8x2048xf32>
    %get3A_186 = arith.constant 136 : index
    %get3A_187 = arith.constant 0 : index
    %get3A_188 = vector.load %arg1[%get3A_186, %get3A_187] : memref<1000x2048xf32, #tpu.memory_space<vmem>>, vector<8x2048xf32>
    %exp3A_189 = math.exp %get3A_188 : vector<8x2048xf32>
    %add3A_190 = arith.addf %add3A_179, %exp3A_189 : vector<8x2048xf32>
    %gt3A_191 = arith.cmpf ogt, %exp3A_189, %max3A_185 : vector<8x2048xf32>
    %add3A_192 = arith.constant 136 : i32
    %add3A_193 = vector.broadcast %add3A_192 : i32 to vector<8x2048xi32>
    %add3A_194 = arith.addi %iota3A, %add3A_193 : vector<8x2048xi32>
    %select_n3A_195 = arith.select %gt3A_191, %add3A_194, %select_n3A_184 : vector<8x2048xi1>, vector<8x2048xi32>
    %max3A_196 = arith.maximumf %max3A_185, %exp3A_189 : vector<8x2048xf32>
    %get3A_197 = arith.constant 144 : index
    %get3A_198 = arith.constant 0 : index
    %get3A_199 = vector.load %arg1[%get3A_197, %get3A_198] : memref<1000x2048xf32, #tpu.memory_space<vmem>>, vector<8x2048xf32>
    %exp3A_200 = math.exp %get3A_199 : vector<8x2048xf32>
    %add3A_201 = arith.addf %add3A_190, %exp3A_200 : vector<8x2048xf32>
    %gt3A_202 = arith.cmpf ogt, %exp3A_200, %max3A_196 : vector<8x2048xf32>
    %add3A_203 = arith.constant 144 : i32
    %add3A_204 = vector.broadcast %add3A_203 : i32 to vector<8x2048xi32>
    %add3A_205 = arith.addi %iota3A, %add3A_204 : vector<8x2048xi32>
    %select_n3A_206 = arith.select %gt3A_202, %add3A_205, %select_n3A_195 : vector<8x2048xi1>, vector<8x2048xi32>
    %max3A_207 = arith.maximumf %max3A_196, %exp3A_200 : vector<8x2048xf32>
    %get3A_208 = arith.constant 152 : index
    %get3A_209 = arith.constant 0 : index
    %get3A_210 = vector.load %arg1[%get3A_208, %get3A_209] : memref<1000x2048xf32, #tpu.memory_space<vmem>>, vector<8x2048xf32>
    %exp3A_211 = math.exp %get3A_210 : vector<8x2048xf32>
    %add3A_212 = arith.addf %add3A_201, %exp3A_211 : vector<8x2048xf32>
    %gt3A_213 = arith.cmpf ogt, %exp3A_211, %max3A_207 : vector<8x2048xf32>
    %add3A_214 = arith.constant 152 : i32
    %add3A_215 = vector.broadcast %add3A_214 : i32 to vector<8x2048xi32>
    %add3A_216 = arith.addi %iota3A, %add3A_215 : vector<8x2048xi32>
    %select_n3A_217 = arith.select %gt3A_213, %add3A_216, %select_n3A_206 : vector<8x2048xi1>, vector<8x2048xi32>
    %max3A_218 = arith.maximumf %max3A_207, %exp3A_211 : vector<8x2048xf32>
    %get3A_219 = arith.constant 160 : index
    %get3A_220 = arith.constant 0 : index
    %get3A_221 = vector.load %arg1[%get3A_219, %get3A_220] : memref<1000x2048xf32, #tpu.memory_space<vmem>>, vector<8x2048xf32>
    %exp3A_222 = math.exp %get3A_221 : vector<8x2048xf32>
    %add3A_223 = arith.addf %add3A_212, %exp3A_222 : vector<8x2048xf32>
    %gt3A_224 = arith.cmpf ogt, %exp3A_222, %max3A_218 : vector<8x2048xf32>
    %add3A_225 = arith.constant 160 : i32
    %add3A_226 = vector.broadcast %add3A_225 : i32 to vector<8x2048xi32>
    %add3A_227 = arith.addi %iota3A, %add3A_226 : vector<8x2048xi32>
    %select_n3A_228 = arith.select %gt3A_224, %add3A_227, %select_n3A_217 : vector<8x2048xi1>, vector<8x2048xi32>
    %max3A_229 = arith.maximumf %max3A_218, %exp3A_222 : vector<8x2048xf32>
    %get3A_230 = arith.constant 168 : index
    %get3A_231 = arith.constant 0 : index
    %get3A_232 = vector.load %arg1[%get3A_230, %get3A_231] : memref<1000x2048xf32, #tpu.memory_space<vmem>>, vector<8x2048xf32>
    %exp3A_233 = math.exp %get3A_232 : vector<8x2048xf32>
    %add3A_234 = arith.addf %add3A_223, %exp3A_233 : vector<8x2048xf32>
    %gt3A_235 = arith.cmpf ogt, %exp3A_233, %max3A_229 : vector<8x2048xf32>
    %add3A_236 = arith.constant 168 : i32
    %add3A_237 = vector.broadcast %add3A_236 : i32 to vector<8x2048xi32>
    %add3A_238 = arith.addi %iota3A, %add3A_237 : vector<8x2048xi32>
    %select_n3A_239 = arith.select %gt3A_235, %add3A_238, %select_n3A_228 : vector<8x2048xi1>, vector<8x2048xi32>
    %max3A_240 = arith.maximumf %max3A_229, %exp3A_233 : vector<8x2048xf32>
    %get3A_241 = arith.constant 176 : index
    %get3A_242 = arith.constant 0 : index
    %get3A_243 = vector.load %arg1[%get3A_241, %get3A_242] : memref<1000x2048xf32, #tpu.memory_space<vmem>>, vector<8x2048xf32>
    %exp3A_244 = math.exp %get3A_243 : vector<8x2048xf32>
    %add3A_245 = arith.addf %add3A_234, %exp3A_244 : vector<8x2048xf32>
    %gt3A_246 = arith.cmpf ogt, %exp3A_244, %max3A_240 : vector<8x2048xf32>
    %add3A_247 = arith.constant 176 : i32
    %add3A_248 = vector.broadcast %add3A_247 : i32 to vector<8x2048xi32>
    %add3A_249 = arith.addi %iota3A, %add3A_248 : vector<8x2048xi32>
    %select_n3A_250 = arith.select %gt3A_246, %add3A_249, %select_n3A_239 : vector<8x2048xi1>, vector<8x2048xi32>
    %max3A_251 = arith.maximumf %max3A_240, %exp3A_244 : vector<8x2048xf32>
    %get3A_252 = arith.constant 184 : index
    %get3A_253 = arith.constant 0 : index
    %get3A_254 = vector.load %arg1[%get3A_252, %get3A_253] : memref<1000x2048xf32, #tpu.memory_space<vmem>>, vector<8x2048xf32>
    %exp3A_255 = math.exp %get3A_254 : vector<8x2048xf32>
    %add3A_256 = arith.addf %add3A_245, %exp3A_255 : vector<8x2048xf32>
    %gt3A_257 = arith.cmpf ogt, %exp3A_255, %max3A_251 : vector<8x2048xf32>
    %add3A_258 = arith.constant 184 : i32
    %add3A_259 = vector.broadcast %add3A_258 : i32 to vector<8x2048xi32>
    %add3A_260 = arith.addi %iota3A, %add3A_259 : vector<8x2048xi32>
    %select_n3A_261 = arith.select %gt3A_257, %add3A_260, %select_n3A_250 : vector<8x2048xi1>, vector<8x2048xi32>
    %max3A_262 = arith.maximumf %max3A_251, %exp3A_255 : vector<8x2048xf32>
    %get3A_263 = arith.constant 192 : index
    %get3A_264 = arith.constant 0 : index
    %get3A_265 = vector.load %arg1[%get3A_263, %get3A_264] : memref<1000x2048xf32, #tpu.memory_space<vmem>>, vector<8x2048xf32>
    %exp3A_266 = math.exp %get3A_265 : vector<8x2048xf32>
    %add3A_267 = arith.addf %add3A_256, %exp3A_266 : vector<8x2048xf32>
    %gt3A_268 = arith.cmpf ogt, %exp3A_266, %max3A_262 : vector<8x2048xf32>
    %add3A_269 = arith.constant 192 : i32
    %add3A_270 = vector.broadcast %add3A_269 : i32 to vector<8x2048xi32>
    %add3A_271 = arith.addi %iota3A, %add3A_270 : vector<8x2048xi32>
    %select_n3A_272 = arith.select %gt3A_268, %add3A_271, %select_n3A_261 : vector<8x2048xi1>, vector<8x2048xi32>
    %max3A_273 = arith.maximumf %max3A_262, %exp3A_266 : vector<8x2048xf32>
    %get3A_274 = arith.constant 200 : index
    %get3A_275 = arith.constant 0 : index
    %get3A_276 = vector.load %arg1[%get3A_274, %get3A_275] : memref<1000x2048xf32, #tpu.memory_space<vmem>>, vector<8x2048xf32>
    %exp3A_277 = math.exp %get3A_276 : vector<8x2048xf32>
    %add3A_278 = arith.addf %add3A_267, %exp3A_277 : vector<8x2048xf32>
    %gt3A_279 = arith.cmpf ogt, %exp3A_277, %max3A_273 : vector<8x2048xf32>
    %add3A_280 = arith.constant 200 : i32
    %add3A_281 = vector.broadcast %add3A_280 : i32 to vector<8x2048xi32>
    %add3A_282 = arith.addi %iota3A, %add3A_281 : vector<8x2048xi32>
    %select_n3A_283 = arith.select %gt3A_279, %add3A_282, %select_n3A_272 : vector<8x2048xi1>, vector<8x2048xi32>
    %max3A_284 = arith.maximumf %max3A_273, %exp3A_277 : vector<8x2048xf32>
    %get3A_285 = arith.constant 208 : index
    %get3A_286 = arith.constant 0 : index
    %get3A_287 = vector.load %arg1[%get3A_285, %get3A_286] : memref<1000x2048xf32, #tpu.memory_space<vmem>>, vector<8x2048xf32>
    %exp3A_288 = math.exp %get3A_287 : vector<8x2048xf32>
    %add3A_289 = arith.addf %add3A_278, %exp3A_288 : vector<8x2048xf32>
    %gt3A_290 = arith.cmpf ogt, %exp3A_288, %max3A_284 : vector<8x2048xf32>
    %add3A_291 = arith.constant 208 : i32
    %add3A_292 = vector.broadcast %add3A_291 : i32 to vector<8x2048xi32>
    %add3A_293 = arith.addi %iota3A, %add3A_292 : vector<8x2048xi32>
    %select_n3A_294 = arith.select %gt3A_290, %add3A_293, %select_n3A_283 : vector<8x2048xi1>, vector<8x2048xi32>
    %max3A_295 = arith.maximumf %max3A_284, %exp3A_288 : vector<8x2048xf32>
    %get3A_296 = arith.constant 216 : index
    %get3A_297 = arith.constant 0 : index
    %get3A_298 = vector.load %arg1[%get3A_296, %get3A_297] : memref<1000x2048xf32, #tpu.memory_space<vmem>>, vector<8x2048xf32>
    %exp3A_299 = math.exp %get3A_298 : vector<8x2048xf32>
    %add3A_300 = arith.addf %add3A_289, %exp3A_299 : vector<8x2048xf32>
    %gt3A_301 = arith.cmpf ogt, %exp3A_299, %max3A_295 : vector<8x2048xf32>
    %add3A_302 = arith.constant 216 : i32
    %add3A_303 = vector.broadcast %add3A_302 : i32 to vector<8x2048xi32>
    %add3A_304 = arith.addi %iota3A, %add3A_303 : vector<8x2048xi32>
    %select_n3A_305 = arith.select %gt3A_301, %add3A_304, %select_n3A_294 : vector<8x2048xi1>, vector<8x2048xi32>
    %max3A_306 = arith.maximumf %max3A_295, %exp3A_299 : vector<8x2048xf32>
    %get3A_307 = arith.constant 224 : index
    %get3A_308 = arith.constant 0 : index
    %get3A_309 = vector.load %arg1[%get3A_307, %get3A_308] : memref<1000x2048xf32, #tpu.memory_space<vmem>>, vector<8x2048xf32>
    %exp3A_310 = math.exp %get3A_309 : vector<8x2048xf32>
    %add3A_311 = arith.addf %add3A_300, %exp3A_310 : vector<8x2048xf32>
    %gt3A_312 = arith.cmpf ogt, %exp3A_310, %max3A_306 : vector<8x2048xf32>
    %add3A_313 = arith.constant 224 : i32
    %add3A_314 = vector.broadcast %add3A_313 : i32 to vector<8x2048xi32>
    %add3A_315 = arith.addi %iota3A, %add3A_314 : vector<8x2048xi32>
    %select_n3A_316 = arith.select %gt3A_312, %add3A_315, %select_n3A_305 : vector<8x2048xi1>, vector<8x2048xi32>
    %max3A_317 = arith.maximumf %max3A_306, %exp3A_310 : vector<8x2048xf32>
    %get3A_318 = arith.constant 232 : index
    %get3A_319 = arith.constant 0 : index
    %get3A_320 = vector.load %arg1[%get3A_318, %get3A_319] : memref<1000x2048xf32, #tpu.memory_space<vmem>>, vector<8x2048xf32>
    %exp3A_321 = math.exp %get3A_320 : vector<8x2048xf32>
    %add3A_322 = arith.addf %add3A_311, %exp3A_321 : vector<8x2048xf32>
    %gt3A_323 = arith.cmpf ogt, %exp3A_321, %max3A_317 : vector<8x2048xf32>
    %add3A_324 = arith.constant 232 : i32
    %add3A_325 = vector.broadcast %add3A_324 : i32 to vector<8x2048xi32>
    %add3A_326 = arith.addi %iota3A, %add3A_325 : vector<8x2048xi32>
    %select_n3A_327 = arith.select %gt3A_323, %add3A_326, %select_n3A_316 : vector<8x2048xi1>, vector<8x2048xi32>
    %max3A_328 = arith.maximumf %max3A_317, %exp3A_321 : vector<8x2048xf32>
    %get3A_329 = arith.constant 240 : index
    %get3A_330 = arith.constant 0 : index
    %get3A_331 = vector.load %arg1[%get3A_329, %get3A_330] : memref<1000x2048xf32, #tpu.memory_space<vmem>>, vector<8x2048xf32>
    %exp3A_332 = math.exp %get3A_331 : vector<8x2048xf32>
    %add3A_333 = arith.addf %add3A_322, %exp3A_332 : vector<8x2048xf32>
    %gt3A_334 = arith.cmpf ogt, %exp3A_332, %max3A_328 : vector<8x2048xf32>
    %add3A_335 = arith.constant 240 : i32
    %add3A_336 = vector.broadcast %add3A_335 : i32 to vector<8x2048xi32>
    %add3A_337 = arith.addi %iota3A, %add3A_336 : vector<8x2048xi32>
    %select_n3A_338 = arith.select %gt3A_334, %add3A_337, %select_n3A_327 : vector<8x2048xi1>, vector<8x2048xi32>
    %max3A_339 = arith.maximumf %max3A_328, %exp3A_332 : vector<8x2048xf32>
    %get3A_340 = arith.constant 248 : index
    %get3A_341 = arith.constant 0 : index
    %get3A_342 = vector.load %arg1[%get3A_340, %get3A_341] : memref<1000x2048xf32, #tpu.memory_space<vmem>>, vector<8x2048xf32>
    %exp3A_343 = math.exp %get3A_342 : vector<8x2048xf32>
    %add3A_344 = arith.addf %add3A_333, %exp3A_343 : vector<8x2048xf32>
    %gt3A_345 = arith.cmpf ogt, %exp3A_343, %max3A_339 : vector<8x2048xf32>
    %add3A_346 = arith.constant 248 : i32
    %add3A_347 = vector.broadcast %add3A_346 : i32 to vector<8x2048xi32>
    %add3A_348 = arith.addi %iota3A, %add3A_347 : vector<8x2048xi32>
    %select_n3A_349 = arith.select %gt3A_345, %add3A_348, %select_n3A_338 : vector<8x2048xi1>, vector<8x2048xi32>
    %max3A_350 = arith.maximumf %max3A_339, %exp3A_343 : vector<8x2048xf32>
    %get3A_351 = arith.constant 256 : index
    %get3A_352 = arith.constant 0 : index
    %get3A_353 = vector.load %arg1[%get3A_351, %get3A_352] : memref<1000x2048xf32, #tpu.memory_space<vmem>>, vector<8x2048xf32>
    %exp3A_354 = math.exp %get3A_353 : vector<8x2048xf32>
    %add3A_355 = arith.addf %add3A_344, %exp3A_354 : vector<8x2048xf32>
    %gt3A_356 = arith.cmpf ogt, %exp3A_354, %max3A_350 : vector<8x2048xf32>
    %add3A_357 = arith.constant 256 : i32
    %add3A_358 = vector.broadcast %add3A_357 : i32 to vector<8x2048xi32>
    %add3A_359 = arith.addi %iota3A, %add3A_358 : vector<8x2048xi32>
    %select_n3A_360 = arith.select %gt3A_356, %add3A_359, %select_n3A_349 : vector<8x2048xi1>, vector<8x2048xi32>
    %max3A_361 = arith.maximumf %max3A_350, %exp3A_354 : vector<8x2048xf32>
    %get3A_362 = arith.constant 264 : index
    %get3A_363 = arith.constant 0 : index
    %get3A_364 = vector.load %arg1[%get3A_362, %get3A_363] : memref<1000x2048xf32, #tpu.memory_space<vmem>>, vector<8x2048xf32>
    %exp3A_365 = math.exp %get3A_364 : vector<8x2048xf32>
    %add3A_366 = arith.addf %add3A_355, %exp3A_365 : vector<8x2048xf32>
    %gt3A_367 = arith.cmpf ogt, %exp3A_365, %max3A_361 : vector<8x2048xf32>
    %add3A_368 = arith.constant 264 : i32
    %add3A_369 = vector.broadcast %add3A_368 : i32 to vector<8x2048xi32>
    %add3A_370 = arith.addi %iota3A, %add3A_369 : vector<8x2048xi32>
    %select_n3A_371 = arith.select %gt3A_367, %add3A_370, %select_n3A_360 : vector<8x2048xi1>, vector<8x2048xi32>
    %max3A_372 = arith.maximumf %max3A_361, %exp3A_365 : vector<8x2048xf32>
    %get3A_373 = arith.constant 272 : index
    %get3A_374 = arith.constant 0 : index
    %get3A_375 = vector.load %arg1[%get3A_373, %get3A_374] : memref<1000x2048xf32, #tpu.memory_space<vmem>>, vector<8x2048xf32>
    %exp3A_376 = math.exp %get3A_375 : vector<8x2048xf32>
    %add3A_377 = arith.addf %add3A_366, %exp3A_376 : vector<8x2048xf32>
    %gt3A_378 = arith.cmpf ogt, %exp3A_376, %max3A_372 : vector<8x2048xf32>
    %add3A_379 = arith.constant 272 : i32
    %add3A_380 = vector.broadcast %add3A_379 : i32 to vector<8x2048xi32>
    %add3A_381 = arith.addi %iota3A, %add3A_380 : vector<8x2048xi32>
    %select_n3A_382 = arith.select %gt3A_378, %add3A_381, %select_n3A_371 : vector<8x2048xi1>, vector<8x2048xi32>
    %max3A_383 = arith.maximumf %max3A_372, %exp3A_376 : vector<8x2048xf32>
    %get3A_384 = arith.constant 280 : index
    %get3A_385 = arith.constant 0 : index
    %get3A_386 = vector.load %arg1[%get3A_384, %get3A_385] : memref<1000x2048xf32, #tpu.memory_space<vmem>>, vector<8x2048xf32>
    %exp3A_387 = math.exp %get3A_386 : vector<8x2048xf32>
    %add3A_388 = arith.addf %add3A_377, %exp3A_387 : vector<8x2048xf32>
    %gt3A_389 = arith.cmpf ogt, %exp3A_387, %max3A_383 : vector<8x2048xf32>
    %add3A_390 = arith.constant 280 : i32
    %add3A_391 = vector.broadcast %add3A_390 : i32 to vector<8x2048xi32>
    %add3A_392 = arith.addi %iota3A, %add3A_391 : vector<8x2048xi32>
    %select_n3A_393 = arith.select %gt3A_389, %add3A_392, %select_n3A_382 : vector<8x2048xi1>, vector<8x2048xi32>
    %max3A_394 = arith.maximumf %max3A_383, %exp3A_387 : vector<8x2048xf32>
    %get3A_395 = arith.constant 288 : index
    %get3A_396 = arith.constant 0 : index
    %get3A_397 = vector.load %arg1[%get3A_395, %get3A_396] : memref<1000x2048xf32, #tpu.memory_space<vmem>>, vector<8x2048xf32>
    %exp3A_398 = math.exp %get3A_397 : vector<8x2048xf32>
    %add3A_399 = arith.addf %add3A_388, %exp3A_398 : vector<8x2048xf32>
    %gt3A_400 = arith.cmpf ogt, %exp3A_398, %max3A_394 : vector<8x2048xf32>
    %add3A_401 = arith.constant 288 : i32
    %add3A_402 = vector.broadcast %add3A_401 : i32 to vector<8x2048xi32>
    %add3A_403 = arith.addi %iota3A, %add3A_402 : vector<8x2048xi32>
    %select_n3A_404 = arith.select %gt3A_400, %add3A_403, %select_n3A_393 : vector<8x2048xi1>, vector<8x2048xi32>
    %max3A_405 = arith.maximumf %max3A_394, %exp3A_398 : vector<8x2048xf32>
    %get3A_406 = arith.constant 296 : index
    %get3A_407 = arith.constant 0 : index
    %get3A_408 = vector.load %arg1[%get3A_406, %get3A_407] : memref<1000x2048xf32, #tpu.memory_space<vmem>>, vector<8x2048xf32>
    %exp3A_409 = math.exp %get3A_408 : vector<8x2048xf32>
    %add3A_410 = arith.addf %add3A_399, %exp3A_409 : vector<8x2048xf32>
    %gt3A_411 = arith.cmpf ogt, %exp3A_409, %max3A_405 : vector<8x2048xf32>
    %add3A_412 = arith.constant 296 : i32
    %add3A_413 = vector.broadcast %add3A_412 : i32 to vector<8x2048xi32>
    %add3A_414 = arith.addi %iota3A, %add3A_413 : vector<8x2048xi32>
    %select_n3A_415 = arith.select %gt3A_411, %add3A_414, %select_n3A_404 : vector<8x2048xi1>, vector<8x2048xi32>
    %max3A_416 = arith.maximumf %max3A_405, %exp3A_409 : vector<8x2048xf32>
    %get3A_417 = arith.constant 304 : index
    %get3A_418 = arith.constant 0 : index
    %get3A_419 = vector.load %arg1[%get3A_417, %get3A_418] : memref<1000x2048xf32, #tpu.memory_space<vmem>>, vector<8x2048xf32>
    %exp3A_420 = math.exp %get3A_419 : vector<8x2048xf32>
    %add3A_421 = arith.addf %add3A_410, %exp3A_420 : vector<8x2048xf32>
    %gt3A_422 = arith.cmpf ogt, %exp3A_420, %max3A_416 : vector<8x2048xf32>
    %add3A_423 = arith.constant 304 : i32
    %add3A_424 = vector.broadcast %add3A_423 : i32 to vector<8x2048xi32>
    %add3A_425 = arith.addi %iota3A, %add3A_424 : vector<8x2048xi32>
    %select_n3A_426 = arith.select %gt3A_422, %add3A_425, %select_n3A_415 : vector<8x2048xi1>, vector<8x2048xi32>
    %max3A_427 = arith.maximumf %max3A_416, %exp3A_420 : vector<8x2048xf32>
    %get3A_428 = arith.constant 312 : index
    %get3A_429 = arith.constant 0 : index
    %get3A_430 = vector.load %arg1[%get3A_428, %get3A_429] : memref<1000x2048xf32, #tpu.memory_space<vmem>>, vector<8x2048xf32>
    %exp3A_431 = math.exp %get3A_430 : vector<8x2048xf32>
    %add3A_432 = arith.addf %add3A_421, %exp3A_431 : vector<8x2048xf32>
    %gt3A_433 = arith.cmpf ogt, %exp3A_431, %max3A_427 : vector<8x2048xf32>
    %add3A_434 = arith.constant 312 : i32
    %add3A_435 = vector.broadcast %add3A_434 : i32 to vector<8x2048xi32>
    %add3A_436 = arith.addi %iota3A, %add3A_435 : vector<8x2048xi32>
    %select_n3A_437 = arith.select %gt3A_433, %add3A_436, %select_n3A_426 : vector<8x2048xi1>, vector<8x2048xi32>
    %max3A_438 = arith.maximumf %max3A_427, %exp3A_431 : vector<8x2048xf32>
    %get3A_439 = arith.constant 320 : index
    %get3A_440 = arith.constant 0 : index
    %get3A_441 = vector.load %arg1[%get3A_439, %get3A_440] : memref<1000x2048xf32, #tpu.memory_space<vmem>>, vector<8x2048xf32>
    %exp3A_442 = math.exp %get3A_441 : vector<8x2048xf32>
    %add3A_443 = arith.addf %add3A_432, %exp3A_442 : vector<8x2048xf32>
    %gt3A_444 = arith.cmpf ogt, %exp3A_442, %max3A_438 : vector<8x2048xf32>
    %add3A_445 = arith.constant 320 : i32
    %add3A_446 = vector.broadcast %add3A_445 : i32 to vector<8x2048xi32>
    %add3A_447 = arith.addi %iota3A, %add3A_446 : vector<8x2048xi32>
    %select_n3A_448 = arith.select %gt3A_444, %add3A_447, %select_n3A_437 : vector<8x2048xi1>, vector<8x2048xi32>
    %max3A_449 = arith.maximumf %max3A_438, %exp3A_442 : vector<8x2048xf32>
    %get3A_450 = arith.constant 328 : index
    %get3A_451 = arith.constant 0 : index
    %get3A_452 = vector.load %arg1[%get3A_450, %get3A_451] : memref<1000x2048xf32, #tpu.memory_space<vmem>>, vector<8x2048xf32>
    %exp3A_453 = math.exp %get3A_452 : vector<8x2048xf32>
    %add3A_454 = arith.addf %add3A_443, %exp3A_453 : vector<8x2048xf32>
    %gt3A_455 = arith.cmpf ogt, %exp3A_453, %max3A_449 : vector<8x2048xf32>
    %add3A_456 = arith.constant 328 : i32
    %add3A_457 = vector.broadcast %add3A_456 : i32 to vector<8x2048xi32>
    %add3A_458 = arith.addi %iota3A, %add3A_457 : vector<8x2048xi32>
    %select_n3A_459 = arith.select %gt3A_455, %add3A_458, %select_n3A_448 : vector<8x2048xi1>, vector<8x2048xi32>
    %max3A_460 = arith.maximumf %max3A_449, %exp3A_453 : vector<8x2048xf32>
    %get3A_461 = arith.constant 336 : index
    %get3A_462 = arith.constant 0 : index
    %get3A_463 = vector.load %arg1[%get3A_461, %get3A_462] : memref<1000x2048xf32, #tpu.memory_space<vmem>>, vector<8x2048xf32>
    %exp3A_464 = math.exp %get3A_463 : vector<8x2048xf32>
    %add3A_465 = arith.addf %add3A_454, %exp3A_464 : vector<8x2048xf32>
    %gt3A_466 = arith.cmpf ogt, %exp3A_464, %max3A_460 : vector<8x2048xf32>
    %add3A_467 = arith.constant 336 : i32
    %add3A_468 = vector.broadcast %add3A_467 : i32 to vector<8x2048xi32>
    %add3A_469 = arith.addi %iota3A, %add3A_468 : vector<8x2048xi32>
    %select_n3A_470 = arith.select %gt3A_466, %add3A_469, %select_n3A_459 : vector<8x2048xi1>, vector<8x2048xi32>
    %max3A_471 = arith.maximumf %max3A_460, %exp3A_464 : vector<8x2048xf32>
    %get3A_472 = arith.constant 344 : index
    %get3A_473 = arith.constant 0 : index
    %get3A_474 = vector.load %arg1[%get3A_472, %get3A_473] : memref<1000x2048xf32, #tpu.memory_space<vmem>>, vector<8x2048xf32>
    %exp3A_475 = math.exp %get3A_474 : vector<8x2048xf32>
    %add3A_476 = arith.addf %add3A_465, %exp3A_475 : vector<8x2048xf32>
    %gt3A_477 = arith.cmpf ogt, %exp3A_475, %max3A_471 : vector<8x2048xf32>
    %add3A_478 = arith.constant 344 : i32
    %add3A_479 = vector.broadcast %add3A_478 : i32 to vector<8x2048xi32>
    %add3A_480 = arith.addi %iota3A, %add3A_479 : vector<8x2048xi32>
    %select_n3A_481 = arith.select %gt3A_477, %add3A_480, %select_n3A_470 : vector<8x2048xi1>, vector<8x2048xi32>
    %max3A_482 = arith.maximumf %max3A_471, %exp3A_475 : vector<8x2048xf32>
    %get3A_483 = arith.constant 352 : index
    %get3A_484 = arith.constant 0 : index
    %get3A_485 = vector.load %arg1[%get3A_483, %get3A_484] : memref<1000x2048xf32, #tpu.memory_space<vmem>>, vector<8x2048xf32>
    %exp3A_486 = math.exp %get3A_485 : vector<8x2048xf32>
    %add3A_487 = arith.addf %add3A_476, %exp3A_486 : vector<8x2048xf32>
    %gt3A_488 = arith.cmpf ogt, %exp3A_486, %max3A_482 : vector<8x2048xf32>
    %add3A_489 = arith.constant 352 : i32
    %add3A_490 = vector.broadcast %add3A_489 : i32 to vector<8x2048xi32>
    %add3A_491 = arith.addi %iota3A, %add3A_490 : vector<8x2048xi32>
    %select_n3A_492 = arith.select %gt3A_488, %add3A_491, %select_n3A_481 : vector<8x2048xi1>, vector<8x2048xi32>
    %max3A_493 = arith.maximumf %max3A_482, %exp3A_486 : vector<8x2048xf32>
    %get3A_494 = arith.constant 360 : index
    %get3A_495 = arith.constant 0 : index
    %get3A_496 = vector.load %arg1[%get3A_494, %get3A_495] : memref<1000x2048xf32, #tpu.memory_space<vmem>>, vector<8x2048xf32>
    %exp3A_497 = math.exp %get3A_496 : vector<8x2048xf32>
    %add3A_498 = arith.addf %add3A_487, %exp3A_497 : vector<8x2048xf32>
    %gt3A_499 = arith.cmpf ogt, %exp3A_497, %max3A_493 : vector<8x2048xf32>
    %add3A_500 = arith.constant 360 : i32
    %add3A_501 = vector.broadcast %add3A_500 : i32 to vector<8x2048xi32>
    %add3A_502 = arith.addi %iota3A, %add3A_501 : vector<8x2048xi32>
    %select_n3A_503 = arith.select %gt3A_499, %add3A_502, %select_n3A_492 : vector<8x2048xi1>, vector<8x2048xi32>
    %max3A_504 = arith.maximumf %max3A_493, %exp3A_497 : vector<8x2048xf32>
    %get3A_505 = arith.constant 368 : index
    %get3A_506 = arith.constant 0 : index
    %get3A_507 = vector.load %arg1[%get3A_505, %get3A_506] : memref<1000x2048xf32, #tpu.memory_space<vmem>>, vector<8x2048xf32>
    %exp3A_508 = math.exp %get3A_507 : vector<8x2048xf32>
    %add3A_509 = arith.addf %add3A_498, %exp3A_508 : vector<8x2048xf32>
    %gt3A_510 = arith.cmpf ogt, %exp3A_508, %max3A_504 : vector<8x2048xf32>
    %add3A_511 = arith.constant 368 : i32
    %add3A_512 = vector.broadcast %add3A_511 : i32 to vector<8x2048xi32>
    %add3A_513 = arith.addi %iota3A, %add3A_512 : vector<8x2048xi32>
    %select_n3A_514 = arith.select %gt3A_510, %add3A_513, %select_n3A_503 : vector<8x2048xi1>, vector<8x2048xi32>
    %max3A_515 = arith.maximumf %max3A_504, %exp3A_508 : vector<8x2048xf32>
    %get3A_516 = arith.constant 376 : index
    %get3A_517 = arith.constant 0 : index
    %get3A_518 = vector.load %arg1[%get3A_516, %get3A_517] : memref<1000x2048xf32, #tpu.memory_space<vmem>>, vector<8x2048xf32>
    %exp3A_519 = math.exp %get3A_518 : vector<8x2048xf32>
    %add3A_520 = arith.addf %add3A_509, %exp3A_519 : vector<8x2048xf32>
    %gt3A_521 = arith.cmpf ogt, %exp3A_519, %max3A_515 : vector<8x2048xf32>
    %add3A_522 = arith.constant 376 : i32
    %add3A_523 = vector.broadcast %add3A_522 : i32 to vector<8x2048xi32>
    %add3A_524 = arith.addi %iota3A, %add3A_523 : vector<8x2048xi32>
    %select_n3A_525 = arith.select %gt3A_521, %add3A_524, %select_n3A_514 : vector<8x2048xi1>, vector<8x2048xi32>
    %max3A_526 = arith.maximumf %max3A_515, %exp3A_519 : vector<8x2048xf32>
    %get3A_527 = arith.constant 384 : index
    %get3A_528 = arith.constant 0 : index
    %get3A_529 = vector.load %arg1[%get3A_527, %get3A_528] : memref<1000x2048xf32, #tpu.memory_space<vmem>>, vector<8x2048xf32>
    %exp3A_530 = math.exp %get3A_529 : vector<8x2048xf32>
    %add3A_531 = arith.addf %add3A_520, %exp3A_530 : vector<8x2048xf32>
    %gt3A_532 = arith.cmpf ogt, %exp3A_530, %max3A_526 : vector<8x2048xf32>
    %add3A_533 = arith.constant 384 : i32
    %add3A_534 = vector.broadcast %add3A_533 : i32 to vector<8x2048xi32>
    %add3A_535 = arith.addi %iota3A, %add3A_534 : vector<8x2048xi32>
    %select_n3A_536 = arith.select %gt3A_532, %add3A_535, %select_n3A_525 : vector<8x2048xi1>, vector<8x2048xi32>
    %max3A_537 = arith.maximumf %max3A_526, %exp3A_530 : vector<8x2048xf32>
    %get3A_538 = arith.constant 392 : index
    %get3A_539 = arith.constant 0 : index
    %get3A_540 = vector.load %arg1[%get3A_538, %get3A_539] : memref<1000x2048xf32, #tpu.memory_space<vmem>>, vector<8x2048xf32>
    %exp3A_541 = math.exp %get3A_540 : vector<8x2048xf32>
    %add3A_542 = arith.addf %add3A_531, %exp3A_541 : vector<8x2048xf32>
    %gt3A_543 = arith.cmpf ogt, %exp3A_541, %max3A_537 : vector<8x2048xf32>
    %add3A_544 = arith.constant 392 : i32
    %add3A_545 = vector.broadcast %add3A_544 : i32 to vector<8x2048xi32>
    %add3A_546 = arith.addi %iota3A, %add3A_545 : vector<8x2048xi32>
    %select_n3A_547 = arith.select %gt3A_543, %add3A_546, %select_n3A_536 : vector<8x2048xi1>, vector<8x2048xi32>
    %max3A_548 = arith.maximumf %max3A_537, %exp3A_541 : vector<8x2048xf32>
    %get3A_549 = arith.constant 400 : index
    %get3A_550 = arith.constant 0 : index
    %get3A_551 = vector.load %arg1[%get3A_549, %get3A_550] : memref<1000x2048xf32, #tpu.memory_space<vmem>>, vector<8x2048xf32>
    %exp3A_552 = math.exp %get3A_551 : vector<8x2048xf32>
    %add3A_553 = arith.addf %add3A_542, %exp3A_552 : vector<8x2048xf32>
    %gt3A_554 = arith.cmpf ogt, %exp3A_552, %max3A_548 : vector<8x2048xf32>
    %add3A_555 = arith.constant 400 : i32
    %add3A_556 = vector.broadcast %add3A_555 : i32 to vector<8x2048xi32>
    %add3A_557 = arith.addi %iota3A, %add3A_556 : vector<8x2048xi32>
    %select_n3A_558 = arith.select %gt3A_554, %add3A_557, %select_n3A_547 : vector<8x2048xi1>, vector<8x2048xi32>
    %max3A_559 = arith.maximumf %max3A_548, %exp3A_552 : vector<8x2048xf32>
    %get3A_560 = arith.constant 408 : index
    %get3A_561 = arith.constant 0 : index
    %get3A_562 = vector.load %arg1[%get3A_560, %get3A_561] : memref<1000x2048xf32, #tpu.memory_space<vmem>>, vector<8x2048xf32>
    %exp3A_563 = math.exp %get3A_562 : vector<8x2048xf32>
    %add3A_564 = arith.addf %add3A_553, %exp3A_563 : vector<8x2048xf32>
    %gt3A_565 = arith.cmpf ogt, %exp3A_563, %max3A_559 : vector<8x2048xf32>
    %add3A_566 = arith.constant 408 : i32
    %add3A_567 = vector.broadcast %add3A_566 : i32 to vector<8x2048xi32>
    %add3A_568 = arith.addi %iota3A, %add3A_567 : vector<8x2048xi32>
    %select_n3A_569 = arith.select %gt3A_565, %add3A_568, %select_n3A_558 : vector<8x2048xi1>, vector<8x2048xi32>
    %max3A_570 = arith.maximumf %max3A_559, %exp3A_563 : vector<8x2048xf32>
    %get3A_571 = arith.constant 416 : index
    %get3A_572 = arith.constant 0 : index
    %get3A_573 = vector.load %arg1[%get3A_571, %get3A_572] : memref<1000x2048xf32, #tpu.memory_space<vmem>>, vector<8x2048xf32>
    %exp3A_574 = math.exp %get3A_573 : vector<8x2048xf32>
    %add3A_575 = arith.addf %add3A_564, %exp3A_574 : vector<8x2048xf32>
    %gt3A_576 = arith.cmpf ogt, %exp3A_574, %max3A_570 : vector<8x2048xf32>
    %add3A_577 = arith.constant 416 : i32
    %add3A_578 = vector.broadcast %add3A_577 : i32 to vector<8x2048xi32>
    %add3A_579 = arith.addi %iota3A, %add3A_578 : vector<8x2048xi32>
    %select_n3A_580 = arith.select %gt3A_576, %add3A_579, %select_n3A_569 : vector<8x2048xi1>, vector<8x2048xi32>
    %max3A_581 = arith.maximumf %max3A_570, %exp3A_574 : vector<8x2048xf32>
    %get3A_582 = arith.constant 424 : index
    %get3A_583 = arith.constant 0 : index
    %get3A_584 = vector.load %arg1[%get3A_582, %get3A_583] : memref<1000x2048xf32, #tpu.memory_space<vmem>>, vector<8x2048xf32>
    %exp3A_585 = math.exp %get3A_584 : vector<8x2048xf32>
    %add3A_586 = arith.addf %add3A_575, %exp3A_585 : vector<8x2048xf32>
    %gt3A_587 = arith.cmpf ogt, %exp3A_585, %max3A_581 : vector<8x2048xf32>
    %add3A_588 = arith.constant 424 : i32
    %add3A_589 = vector.broadcast %add3A_588 : i32 to vector<8x2048xi32>
    %add3A_590 = arith.addi %iota3A, %add3A_589 : vector<8x2048xi32>
    %select_n3A_591 = arith.select %gt3A_587, %add3A_590, %select_n3A_580 : vector<8x2048xi1>, vector<8x2048xi32>
    %max3A_592 = arith.maximumf %max3A_581, %exp3A_585 : vector<8x2048xf32>
    %get3A_593 = arith.constant 432 : index
    %get3A_594 = arith.constant 0 : index
    %get3A_595 = vector.load %arg1[%get3A_593, %get3A_594] : memref<1000x2048xf32, #tpu.memory_space<vmem>>, vector<8x2048xf32>
    %exp3A_596 = math.exp %get3A_595 : vector<8x2048xf32>
    %add3A_597 = arith.addf %add3A_586, %exp3A_596 : vector<8x2048xf32>
    %gt3A_598 = arith.cmpf ogt, %exp3A_596, %max3A_592 : vector<8x2048xf32>
    %add3A_599 = arith.constant 432 : i32
    %add3A_600 = vector.broadcast %add3A_599 : i32 to vector<8x2048xi32>
    %add3A_601 = arith.addi %iota3A, %add3A_600 : vector<8x2048xi32>
    %select_n3A_602 = arith.select %gt3A_598, %add3A_601, %select_n3A_591 : vector<8x2048xi1>, vector<8x2048xi32>
    %max3A_603 = arith.maximumf %max3A_592, %exp3A_596 : vector<8x2048xf32>
    %get3A_604 = arith.constant 440 : index
    %get3A_605 = arith.constant 0 : index
    %get3A_606 = vector.load %arg1[%get3A_604, %get3A_605] : memref<1000x2048xf32, #tpu.memory_space<vmem>>, vector<8x2048xf32>
    %exp3A_607 = math.exp %get3A_606 : vector<8x2048xf32>
    %add3A_608 = arith.addf %add3A_597, %exp3A_607 : vector<8x2048xf32>
    %gt3A_609 = arith.cmpf ogt, %exp3A_607, %max3A_603 : vector<8x2048xf32>
    %add3A_610 = arith.constant 440 : i32
    %add3A_611 = vector.broadcast %add3A_610 : i32 to vector<8x2048xi32>
    %add3A_612 = arith.addi %iota3A, %add3A_611 : vector<8x2048xi32>
    %select_n3A_613 = arith.select %gt3A_609, %add3A_612, %select_n3A_602 : vector<8x2048xi1>, vector<8x2048xi32>
    %max3A_614 = arith.maximumf %max3A_603, %exp3A_607 : vector<8x2048xf32>
    %get3A_615 = arith.constant 448 : index
    %get3A_616 = arith.constant 0 : index
    %get3A_617 = vector.load %arg1[%get3A_615, %get3A_616] : memref<1000x2048xf32, #tpu.memory_space<vmem>>, vector<8x2048xf32>
    %exp3A_618 = math.exp %get3A_617 : vector<8x2048xf32>
    %add3A_619 = arith.addf %add3A_608, %exp3A_618 : vector<8x2048xf32>
    %gt3A_620 = arith.cmpf ogt, %exp3A_618, %max3A_614 : vector<8x2048xf32>
    %add3A_621 = arith.constant 448 : i32
    %add3A_622 = vector.broadcast %add3A_621 : i32 to vector<8x2048xi32>
    %add3A_623 = arith.addi %iota3A, %add3A_622 : vector<8x2048xi32>
    %select_n3A_624 = arith.select %gt3A_620, %add3A_623, %select_n3A_613 : vector<8x2048xi1>, vector<8x2048xi32>
    %max3A_625 = arith.maximumf %max3A_614, %exp3A_618 : vector<8x2048xf32>
    %get3A_626 = arith.constant 456 : index
    %get3A_627 = arith.constant 0 : index
    %get3A_628 = vector.load %arg1[%get3A_626, %get3A_627] : memref<1000x2048xf32, #tpu.memory_space<vmem>>, vector<8x2048xf32>
    %exp3A_629 = math.exp %get3A_628 : vector<8x2048xf32>
    %add3A_630 = arith.addf %add3A_619, %exp3A_629 : vector<8x2048xf32>
    %gt3A_631 = arith.cmpf ogt, %exp3A_629, %max3A_625 : vector<8x2048xf32>
    %add3A_632 = arith.constant 456 : i32
    %add3A_633 = vector.broadcast %add3A_632 : i32 to vector<8x2048xi32>
    %add3A_634 = arith.addi %iota3A, %add3A_633 : vector<8x2048xi32>
    %select_n3A_635 = arith.select %gt3A_631, %add3A_634, %select_n3A_624 : vector<8x2048xi1>, vector<8x2048xi32>
    %max3A_636 = arith.maximumf %max3A_625, %exp3A_629 : vector<8x2048xf32>
    %get3A_637 = arith.constant 464 : index
    %get3A_638 = arith.constant 0 : index
    %get3A_639 = vector.load %arg1[%get3A_637, %get3A_638] : memref<1000x2048xf32, #tpu.memory_space<vmem>>, vector<8x2048xf32>
    %exp3A_640 = math.exp %get3A_639 : vector<8x2048xf32>
    %add3A_641 = arith.addf %add3A_630, %exp3A_640 : vector<8x2048xf32>
    %gt3A_642 = arith.cmpf ogt, %exp3A_640, %max3A_636 : vector<8x2048xf32>
    %add3A_643 = arith.constant 464 : i32
    %add3A_644 = vector.broadcast %add3A_643 : i32 to vector<8x2048xi32>
    %add3A_645 = arith.addi %iota3A, %add3A_644 : vector<8x2048xi32>
    %select_n3A_646 = arith.select %gt3A_642, %add3A_645, %select_n3A_635 : vector<8x2048xi1>, vector<8x2048xi32>
    %max3A_647 = arith.maximumf %max3A_636, %exp3A_640 : vector<8x2048xf32>
    %get3A_648 = arith.constant 472 : index
    %get3A_649 = arith.constant 0 : index
    %get3A_650 = vector.load %arg1[%get3A_648, %get3A_649] : memref<1000x2048xf32, #tpu.memory_space<vmem>>, vector<8x2048xf32>
    %exp3A_651 = math.exp %get3A_650 : vector<8x2048xf32>
    %add3A_652 = arith.addf %add3A_641, %exp3A_651 : vector<8x2048xf32>
    %gt3A_653 = arith.cmpf ogt, %exp3A_651, %max3A_647 : vector<8x2048xf32>
    %add3A_654 = arith.constant 472 : i32
    %add3A_655 = vector.broadcast %add3A_654 : i32 to vector<8x2048xi32>
    %add3A_656 = arith.addi %iota3A, %add3A_655 : vector<8x2048xi32>
    %select_n3A_657 = arith.select %gt3A_653, %add3A_656, %select_n3A_646 : vector<8x2048xi1>, vector<8x2048xi32>
    %max3A_658 = arith.maximumf %max3A_647, %exp3A_651 : vector<8x2048xf32>
    %get3A_659 = arith.constant 480 : index
    %get3A_660 = arith.constant 0 : index
    %get3A_661 = vector.load %arg1[%get3A_659, %get3A_660] : memref<1000x2048xf32, #tpu.memory_space<vmem>>, vector<8x2048xf32>
    %exp3A_662 = math.exp %get3A_661 : vector<8x2048xf32>
    %add3A_663 = arith.addf %add3A_652, %exp3A_662 : vector<8x2048xf32>
    %gt3A_664 = arith.cmpf ogt, %exp3A_662, %max3A_658 : vector<8x2048xf32>
    %add3A_665 = arith.constant 480 : i32
    %add3A_666 = vector.broadcast %add3A_665 : i32 to vector<8x2048xi32>
    %add3A_667 = arith.addi %iota3A, %add3A_666 : vector<8x2048xi32>
    %select_n3A_668 = arith.select %gt3A_664, %add3A_667, %select_n3A_657 : vector<8x2048xi1>, vector<8x2048xi32>
    %max3A_669 = arith.maximumf %max3A_658, %exp3A_662 : vector<8x2048xf32>
    %get3A_670 = arith.constant 488 : index
    %get3A_671 = arith.constant 0 : index
    %get3A_672 = vector.load %arg1[%get3A_670, %get3A_671] : memref<1000x2048xf32, #tpu.memory_space<vmem>>, vector<8x2048xf32>
    %exp3A_673 = math.exp %get3A_672 : vector<8x2048xf32>
    %add3A_674 = arith.addf %add3A_663, %exp3A_673 : vector<8x2048xf32>
    %gt3A_675 = arith.cmpf ogt, %exp3A_673, %max3A_669 : vector<8x2048xf32>
    %add3A_676 = arith.constant 488 : i32
    %add3A_677 = vector.broadcast %add3A_676 : i32 to vector<8x2048xi32>
    %add3A_678 = arith.addi %iota3A, %add3A_677 : vector<8x2048xi32>
    %select_n3A_679 = arith.select %gt3A_675, %add3A_678, %select_n3A_668 : vector<8x2048xi1>, vector<8x2048xi32>
    %max3A_680 = arith.maximumf %max3A_669, %exp3A_673 : vector<8x2048xf32>
    %get3A_681 = arith.constant 496 : index
    %get3A_682 = arith.constant 0 : index
    %get3A_683 = vector.load %arg1[%get3A_681, %get3A_682] : memref<1000x2048xf32, #tpu.memory_space<vmem>>, vector<8x2048xf32>
    %exp3A_684 = math.exp %get3A_683 : vector<8x2048xf32>
    %add3A_685 = arith.addf %add3A_674, %exp3A_684 : vector<8x2048xf32>
    %gt3A_686 = arith.cmpf ogt, %exp3A_684, %max3A_680 : vector<8x2048xf32>
    %add3A_687 = arith.constant 496 : i32
    %add3A_688 = vector.broadcast %add3A_687 : i32 to vector<8x2048xi32>
    %add3A_689 = arith.addi %iota3A, %add3A_688 : vector<8x2048xi32>
    %select_n3A_690 = arith.select %gt3A_686, %add3A_689, %select_n3A_679 : vector<8x2048xi1>, vector<8x2048xi32>
    %max3A_691 = arith.maximumf %max3A_680, %exp3A_684 : vector<8x2048xf32>
    %get3A_692 = arith.constant 504 : index
    %get3A_693 = arith.constant 0 : index
    %get3A_694 = vector.load %arg1[%get3A_692, %get3A_693] : memref<1000x2048xf32, #tpu.memory_space<vmem>>, vector<8x2048xf32>
    %exp3A_695 = math.exp %get3A_694 : vector<8x2048xf32>
    %add3A_696 = arith.addf %add3A_685, %exp3A_695 : vector<8x2048xf32>
    %gt3A_697 = arith.cmpf ogt, %exp3A_695, %max3A_691 : vector<8x2048xf32>
    %add3A_698 = arith.constant 504 : i32
    %add3A_699 = vector.broadcast %add3A_698 : i32 to vector<8x2048xi32>
    %add3A_700 = arith.addi %iota3A, %add3A_699 : vector<8x2048xi32>
    %select_n3A_701 = arith.select %gt3A_697, %add3A_700, %select_n3A_690 : vector<8x2048xi1>, vector<8x2048xi32>
    %max3A_702 = arith.maximumf %max3A_691, %exp3A_695 : vector<8x2048xf32>
    %get3A_703 = arith.constant 512 : index
    %get3A_704 = arith.constant 0 : index
    %get3A_705 = vector.load %arg1[%get3A_703, %get3A_704] : memref<1000x2048xf32, #tpu.memory_space<vmem>>, vector<8x2048xf32>
    %exp3A_706 = math.exp %get3A_705 : vector<8x2048xf32>
    %add3A_707 = arith.addf %add3A_696, %exp3A_706 : vector<8x2048xf32>
    %gt3A_708 = arith.cmpf ogt, %exp3A_706, %max3A_702 : vector<8x2048xf32>
    %add3A_709 = arith.constant 512 : i32
    %add3A_710 = vector.broadcast %add3A_709 : i32 to vector<8x2048xi32>
    %add3A_711 = arith.addi %iota3A, %add3A_710 : vector<8x2048xi32>
    %select_n3A_712 = arith.select %gt3A_708, %add3A_711, %select_n3A_701 : vector<8x2048xi1>, vector<8x2048xi32>
    %max3A_713 = arith.maximumf %max3A_702, %exp3A_706 : vector<8x2048xf32>
    %get3A_714 = arith.constant 520 : index
    %get3A_715 = arith.constant 0 : index
    %get3A_716 = vector.load %arg1[%get3A_714, %get3A_715] : memref<1000x2048xf32, #tpu.memory_space<vmem>>, vector<8x2048xf32>
    %exp3A_717 = math.exp %get3A_716 : vector<8x2048xf32>
    %add3A_718 = arith.addf %add3A_707, %exp3A_717 : vector<8x2048xf32>
    %gt3A_719 = arith.cmpf ogt, %exp3A_717, %max3A_713 : vector<8x2048xf32>
    %add3A_720 = arith.constant 520 : i32
    %add3A_721 = vector.broadcast %add3A_720 : i32 to vector<8x2048xi32>
    %add3A_722 = arith.addi %iota3A, %add3A_721 : vector<8x2048xi32>
    %select_n3A_723 = arith.select %gt3A_719, %add3A_722, %select_n3A_712 : vector<8x2048xi1>, vector<8x2048xi32>
    %max3A_724 = arith.maximumf %max3A_713, %exp3A_717 : vector<8x2048xf32>
    %get3A_725 = arith.constant 528 : index
    %get3A_726 = arith.constant 0 : index
    %get3A_727 = vector.load %arg1[%get3A_725, %get3A_726] : memref<1000x2048xf32, #tpu.memory_space<vmem>>, vector<8x2048xf32>
    %exp3A_728 = math.exp %get3A_727 : vector<8x2048xf32>
    %add3A_729 = arith.addf %add3A_718, %exp3A_728 : vector<8x2048xf32>
    %gt3A_730 = arith.cmpf ogt, %exp3A_728, %max3A_724 : vector<8x2048xf32>
    %add3A_731 = arith.constant 528 : i32
    %add3A_732 = vector.broadcast %add3A_731 : i32 to vector<8x2048xi32>
    %add3A_733 = arith.addi %iota3A, %add3A_732 : vector<8x2048xi32>
    %select_n3A_734 = arith.select %gt3A_730, %add3A_733, %select_n3A_723 : vector<8x2048xi1>, vector<8x2048xi32>
    %max3A_735 = arith.maximumf %max3A_724, %exp3A_728 : vector<8x2048xf32>
    %get3A_736 = arith.constant 536 : index
    %get3A_737 = arith.constant 0 : index
    %get3A_738 = vector.load %arg1[%get3A_736, %get3A_737] : memref<1000x2048xf32, #tpu.memory_space<vmem>>, vector<8x2048xf32>
    %exp3A_739 = math.exp %get3A_738 : vector<8x2048xf32>
    %add3A_740 = arith.addf %add3A_729, %exp3A_739 : vector<8x2048xf32>
    %gt3A_741 = arith.cmpf ogt, %exp3A_739, %max3A_735 : vector<8x2048xf32>
    %add3A_742 = arith.constant 536 : i32
    %add3A_743 = vector.broadcast %add3A_742 : i32 to vector<8x2048xi32>
    %add3A_744 = arith.addi %iota3A, %add3A_743 : vector<8x2048xi32>
    %select_n3A_745 = arith.select %gt3A_741, %add3A_744, %select_n3A_734 : vector<8x2048xi1>, vector<8x2048xi32>
    %max3A_746 = arith.maximumf %max3A_735, %exp3A_739 : vector<8x2048xf32>
    %get3A_747 = arith.constant 544 : index
    %get3A_748 = arith.constant 0 : index
    %get3A_749 = vector.load %arg1[%get3A_747, %get3A_748] : memref<1000x2048xf32, #tpu.memory_space<vmem>>, vector<8x2048xf32>
    %exp3A_750 = math.exp %get3A_749 : vector<8x2048xf32>
    %add3A_751 = arith.addf %add3A_740, %exp3A_750 : vector<8x2048xf32>
    %gt3A_752 = arith.cmpf ogt, %exp3A_750, %max3A_746 : vector<8x2048xf32>
    %add3A_753 = arith.constant 544 : i32
    %add3A_754 = vector.broadcast %add3A_753 : i32 to vector<8x2048xi32>
    %add3A_755 = arith.addi %iota3A, %add3A_754 : vector<8x2048xi32>
    %select_n3A_756 = arith.select %gt3A_752, %add3A_755, %select_n3A_745 : vector<8x2048xi1>, vector<8x2048xi32>
    %max3A_757 = arith.maximumf %max3A_746, %exp3A_750 : vector<8x2048xf32>
    %get3A_758 = arith.constant 552 : index
    %get3A_759 = arith.constant 0 : index
    %get3A_760 = vector.load %arg1[%get3A_758, %get3A_759] : memref<1000x2048xf32, #tpu.memory_space<vmem>>, vector<8x2048xf32>
    %exp3A_761 = math.exp %get3A_760 : vector<8x2048xf32>
    %add3A_762 = arith.addf %add3A_751, %exp3A_761 : vector<8x2048xf32>
    %gt3A_763 = arith.cmpf ogt, %exp3A_761, %max3A_757 : vector<8x2048xf32>
    %add3A_764 = arith.constant 552 : i32
    %add3A_765 = vector.broadcast %add3A_764 : i32 to vector<8x2048xi32>
    %add3A_766 = arith.addi %iota3A, %add3A_765 : vector<8x2048xi32>
    %select_n3A_767 = arith.select %gt3A_763, %add3A_766, %select_n3A_756 : vector<8x2048xi1>, vector<8x2048xi32>
    %max3A_768 = arith.maximumf %max3A_757, %exp3A_761 : vector<8x2048xf32>
    %get3A_769 = arith.constant 560 : index
    %get3A_770 = arith.constant 0 : index
    %get3A_771 = vector.load %arg1[%get3A_769, %get3A_770] : memref<1000x2048xf32, #tpu.memory_space<vmem>>, vector<8x2048xf32>
    %exp3A_772 = math.exp %get3A_771 : vector<8x2048xf32>
    %add3A_773 = arith.addf %add3A_762, %exp3A_772 : vector<8x2048xf32>
    %gt3A_774 = arith.cmpf ogt, %exp3A_772, %max3A_768 : vector<8x2048xf32>
    %add3A_775 = arith.constant 560 : i32
    %add3A_776 = vector.broadcast %add3A_775 : i32 to vector<8x2048xi32>
    %add3A_777 = arith.addi %iota3A, %add3A_776 : vector<8x2048xi32>
    %select_n3A_778 = arith.select %gt3A_774, %add3A_777, %select_n3A_767 : vector<8x2048xi1>, vector<8x2048xi32>
    %max3A_779 = arith.maximumf %max3A_768, %exp3A_772 : vector<8x2048xf32>
    %get3A_780 = arith.constant 568 : index
    %get3A_781 = arith.constant 0 : index
    %get3A_782 = vector.load %arg1[%get3A_780, %get3A_781] : memref<1000x2048xf32, #tpu.memory_space<vmem>>, vector<8x2048xf32>
    %exp3A_783 = math.exp %get3A_782 : vector<8x2048xf32>
    %add3A_784 = arith.addf %add3A_773, %exp3A_783 : vector<8x2048xf32>
    %gt3A_785 = arith.cmpf ogt, %exp3A_783, %max3A_779 : vector<8x2048xf32>
    %add3A_786 = arith.constant 568 : i32
    %add3A_787 = vector.broadcast %add3A_786 : i32 to vector<8x2048xi32>
    %add3A_788 = arith.addi %iota3A, %add3A_787 : vector<8x2048xi32>
    %select_n3A_789 = arith.select %gt3A_785, %add3A_788, %select_n3A_778 : vector<8x2048xi1>, vector<8x2048xi32>
    %max3A_790 = arith.maximumf %max3A_779, %exp3A_783 : vector<8x2048xf32>
    %get3A_791 = arith.constant 576 : index
    %get3A_792 = arith.constant 0 : index
    %get3A_793 = vector.load %arg1[%get3A_791, %get3A_792] : memref<1000x2048xf32, #tpu.memory_space<vmem>>, vector<8x2048xf32>
    %exp3A_794 = math.exp %get3A_793 : vector<8x2048xf32>
    %add3A_795 = arith.addf %add3A_784, %exp3A_794 : vector<8x2048xf32>
    %gt3A_796 = arith.cmpf ogt, %exp3A_794, %max3A_790 : vector<8x2048xf32>
    %add3A_797 = arith.constant 576 : i32
    %add3A_798 = vector.broadcast %add3A_797 : i32 to vector<8x2048xi32>
    %add3A_799 = arith.addi %iota3A, %add3A_798 : vector<8x2048xi32>
    %select_n3A_800 = arith.select %gt3A_796, %add3A_799, %select_n3A_789 : vector<8x2048xi1>, vector<8x2048xi32>
    %max3A_801 = arith.maximumf %max3A_790, %exp3A_794 : vector<8x2048xf32>
    %get3A_802 = arith.constant 584 : index
    %get3A_803 = arith.constant 0 : index
    %get3A_804 = vector.load %arg1[%get3A_802, %get3A_803] : memref<1000x2048xf32, #tpu.memory_space<vmem>>, vector<8x2048xf32>
    %exp3A_805 = math.exp %get3A_804 : vector<8x2048xf32>
    %add3A_806 = arith.addf %add3A_795, %exp3A_805 : vector<8x2048xf32>
    %gt3A_807 = arith.cmpf ogt, %exp3A_805, %max3A_801 : vector<8x2048xf32>
    %add3A_808 = arith.constant 584 : i32
    %add3A_809 = vector.broadcast %add3A_808 : i32 to vector<8x2048xi32>
    %add3A_810 = arith.addi %iota3A, %add3A_809 : vector<8x2048xi32>
    %select_n3A_811 = arith.select %gt3A_807, %add3A_810, %select_n3A_800 : vector<8x2048xi1>, vector<8x2048xi32>
    %max3A_812 = arith.maximumf %max3A_801, %exp3A_805 : vector<8x2048xf32>
    %get3A_813 = arith.constant 592 : index
    %get3A_814 = arith.constant 0 : index
    %get3A_815 = vector.load %arg1[%get3A_813, %get3A_814] : memref<1000x2048xf32, #tpu.memory_space<vmem>>, vector<8x2048xf32>
    %exp3A_816 = math.exp %get3A_815 : vector<8x2048xf32>
    %add3A_817 = arith.addf %add3A_806, %exp3A_816 : vector<8x2048xf32>
    %gt3A_818 = arith.cmpf ogt, %exp3A_816, %max3A_812 : vector<8x2048xf32>
    %add3A_819 = arith.constant 592 : i32
    %add3A_820 = vector.broadcast %add3A_819 : i32 to vector<8x2048xi32>
    %add3A_821 = arith.addi %iota3A, %add3A_820 : vector<8x2048xi32>
    %select_n3A_822 = arith.select %gt3A_818, %add3A_821, %select_n3A_811 : vector<8x2048xi1>, vector<8x2048xi32>
    %max3A_823 = arith.maximumf %max3A_812, %exp3A_816 : vector<8x2048xf32>
    %get3A_824 = arith.constant 600 : index
    %get3A_825 = arith.constant 0 : index
    %get3A_826 = vector.load %arg1[%get3A_824, %get3A_825] : memref<1000x2048xf32, #tpu.memory_space<vmem>>, vector<8x2048xf32>
    %exp3A_827 = math.exp %get3A_826 : vector<8x2048xf32>
    %add3A_828 = arith.addf %add3A_817, %exp3A_827 : vector<8x2048xf32>
    %gt3A_829 = arith.cmpf ogt, %exp3A_827, %max3A_823 : vector<8x2048xf32>
    %add3A_830 = arith.constant 600 : i32
    %add3A_831 = vector.broadcast %add3A_830 : i32 to vector<8x2048xi32>
    %add3A_832 = arith.addi %iota3A, %add3A_831 : vector<8x2048xi32>
    %select_n3A_833 = arith.select %gt3A_829, %add3A_832, %select_n3A_822 : vector<8x2048xi1>, vector<8x2048xi32>
    %max3A_834 = arith.maximumf %max3A_823, %exp3A_827 : vector<8x2048xf32>
    %get3A_835 = arith.constant 608 : index
    %get3A_836 = arith.constant 0 : index
    %get3A_837 = vector.load %arg1[%get3A_835, %get3A_836] : memref<1000x2048xf32, #tpu.memory_space<vmem>>, vector<8x2048xf32>
    %exp3A_838 = math.exp %get3A_837 : vector<8x2048xf32>
    %add3A_839 = arith.addf %add3A_828, %exp3A_838 : vector<8x2048xf32>
    %gt3A_840 = arith.cmpf ogt, %exp3A_838, %max3A_834 : vector<8x2048xf32>
    %add3A_841 = arith.constant 608 : i32
    %add3A_842 = vector.broadcast %add3A_841 : i32 to vector<8x2048xi32>
    %add3A_843 = arith.addi %iota3A, %add3A_842 : vector<8x2048xi32>
    %select_n3A_844 = arith.select %gt3A_840, %add3A_843, %select_n3A_833 : vector<8x2048xi1>, vector<8x2048xi32>
    %max3A_845 = arith.maximumf %max3A_834, %exp3A_838 : vector<8x2048xf32>
    %get3A_846 = arith.constant 616 : index
    %get3A_847 = arith.constant 0 : index
    %get3A_848 = vector.load %arg1[%get3A_846, %get3A_847] : memref<1000x2048xf32, #tpu.memory_space<vmem>>, vector<8x2048xf32>
    %exp3A_849 = math.exp %get3A_848 : vector<8x2048xf32>
    %add3A_850 = arith.addf %add3A_839, %exp3A_849 : vector<8x2048xf32>
    %gt3A_851 = arith.cmpf ogt, %exp3A_849, %max3A_845 : vector<8x2048xf32>
    %add3A_852 = arith.constant 616 : i32
    %add3A_853 = vector.broadcast %add3A_852 : i32 to vector<8x2048xi32>
    %add3A_854 = arith.addi %iota3A, %add3A_853 : vector<8x2048xi32>
    %select_n3A_855 = arith.select %gt3A_851, %add3A_854, %select_n3A_844 : vector<8x2048xi1>, vector<8x2048xi32>
    %max3A_856 = arith.maximumf %max3A_845, %exp3A_849 : vector<8x2048xf32>
    %get3A_857 = arith.constant 624 : index
    %get3A_858 = arith.constant 0 : index
    %get3A_859 = vector.load %arg1[%get3A_857, %get3A_858] : memref<1000x2048xf32, #tpu.memory_space<vmem>>, vector<8x2048xf32>
    %exp3A_860 = math.exp %get3A_859 : vector<8x2048xf32>
    %add3A_861 = arith.addf %add3A_850, %exp3A_860 : vector<8x2048xf32>
    %gt3A_862 = arith.cmpf ogt, %exp3A_860, %max3A_856 : vector<8x2048xf32>
    %add3A_863 = arith.constant 624 : i32
    %add3A_864 = vector.broadcast %add3A_863 : i32 to vector<8x2048xi32>
    %add3A_865 = arith.addi %iota3A, %add3A_864 : vector<8x2048xi32>
    %select_n3A_866 = arith.select %gt3A_862, %add3A_865, %select_n3A_855 : vector<8x2048xi1>, vector<8x2048xi32>
    %max3A_867 = arith.maximumf %max3A_856, %exp3A_860 : vector<8x2048xf32>
    %get3A_868 = arith.constant 632 : index
    %get3A_869 = arith.constant 0 : index
    %get3A_870 = vector.load %arg1[%get3A_868, %get3A_869] : memref<1000x2048xf32, #tpu.memory_space<vmem>>, vector<8x2048xf32>
    %exp3A_871 = math.exp %get3A_870 : vector<8x2048xf32>
    %add3A_872 = arith.addf %add3A_861, %exp3A_871 : vector<8x2048xf32>
    %gt3A_873 = arith.cmpf ogt, %exp3A_871, %max3A_867 : vector<8x2048xf32>
    %add3A_874 = arith.constant 632 : i32
    %add3A_875 = vector.broadcast %add3A_874 : i32 to vector<8x2048xi32>
    %add3A_876 = arith.addi %iota3A, %add3A_875 : vector<8x2048xi32>
    %select_n3A_877 = arith.select %gt3A_873, %add3A_876, %select_n3A_866 : vector<8x2048xi1>, vector<8x2048xi32>
    %max3A_878 = arith.maximumf %max3A_867, %exp3A_871 : vector<8x2048xf32>
    %get3A_879 = arith.constant 640 : index
    %get3A_880 = arith.constant 0 : index
    %get3A_881 = vector.load %arg1[%get3A_879, %get3A_880] : memref<1000x2048xf32, #tpu.memory_space<vmem>>, vector<8x2048xf32>
    %exp3A_882 = math.exp %get3A_881 : vector<8x2048xf32>
    %add3A_883 = arith.addf %add3A_872, %exp3A_882 : vector<8x2048xf32>
    %gt3A_884 = arith.cmpf ogt, %exp3A_882, %max3A_878 : vector<8x2048xf32>
    %add3A_885 = arith.constant 640 : i32
    %add3A_886 = vector.broadcast %add3A_885 : i32 to vector<8x2048xi32>
    %add3A_887 = arith.addi %iota3A, %add3A_886 : vector<8x2048xi32>
    %select_n3A_888 = arith.select %gt3A_884, %add3A_887, %select_n3A_877 : vector<8x2048xi1>, vector<8x2048xi32>
    %max3A_889 = arith.maximumf %max3A_878, %exp3A_882 : vector<8x2048xf32>
    %get3A_890 = arith.constant 648 : index
    %get3A_891 = arith.constant 0 : index
    %get3A_892 = vector.load %arg1[%get3A_890, %get3A_891] : memref<1000x2048xf32, #tpu.memory_space<vmem>>, vector<8x2048xf32>
    %exp3A_893 = math.exp %get3A_892 : vector<8x2048xf32>
    %add3A_894 = arith.addf %add3A_883, %exp3A_893 : vector<8x2048xf32>
    %gt3A_895 = arith.cmpf ogt, %exp3A_893, %max3A_889 : vector<8x2048xf32>
    %add3A_896 = arith.constant 648 : i32
    %add3A_897 = vector.broadcast %add3A_896 : i32 to vector<8x2048xi32>
    %add3A_898 = arith.addi %iota3A, %add3A_897 : vector<8x2048xi32>
    %select_n3A_899 = arith.select %gt3A_895, %add3A_898, %select_n3A_888 : vector<8x2048xi1>, vector<8x2048xi32>
    %max3A_900 = arith.maximumf %max3A_889, %exp3A_893 : vector<8x2048xf32>
    %get3A_901 = arith.constant 656 : index
    %get3A_902 = arith.constant 0 : index
    %get3A_903 = vector.load %arg1[%get3A_901, %get3A_902] : memref<1000x2048xf32, #tpu.memory_space<vmem>>, vector<8x2048xf32>
    %exp3A_904 = math.exp %get3A_903 : vector<8x2048xf32>
    %add3A_905 = arith.addf %add3A_894, %exp3A_904 : vector<8x2048xf32>
    %gt3A_906 = arith.cmpf ogt, %exp3A_904, %max3A_900 : vector<8x2048xf32>
    %add3A_907 = arith.constant 656 : i32
    %add3A_908 = vector.broadcast %add3A_907 : i32 to vector<8x2048xi32>
    %add3A_909 = arith.addi %iota3A, %add3A_908 : vector<8x2048xi32>
    %select_n3A_910 = arith.select %gt3A_906, %add3A_909, %select_n3A_899 : vector<8x2048xi1>, vector<8x2048xi32>
    %max3A_911 = arith.maximumf %max3A_900, %exp3A_904 : vector<8x2048xf32>
    %get3A_912 = arith.constant 664 : index
    %get3A_913 = arith.constant 0 : index
    %get3A_914 = vector.load %arg1[%get3A_912, %get3A_913] : memref<1000x2048xf32, #tpu.memory_space<vmem>>, vector<8x2048xf32>
    %exp3A_915 = math.exp %get3A_914 : vector<8x2048xf32>
    %add3A_916 = arith.addf %add3A_905, %exp3A_915 : vector<8x2048xf32>
    %gt3A_917 = arith.cmpf ogt, %exp3A_915, %max3A_911 : vector<8x2048xf32>
    %add3A_918 = arith.constant 664 : i32
    %add3A_919 = vector.broadcast %add3A_918 : i32 to vector<8x2048xi32>
    %add3A_920 = arith.addi %iota3A, %add3A_919 : vector<8x2048xi32>
    %select_n3A_921 = arith.select %gt3A_917, %add3A_920, %select_n3A_910 : vector<8x2048xi1>, vector<8x2048xi32>
    %max3A_922 = arith.maximumf %max3A_911, %exp3A_915 : vector<8x2048xf32>
    %get3A_923 = arith.constant 672 : index
    %get3A_924 = arith.constant 0 : index
    %get3A_925 = vector.load %arg1[%get3A_923, %get3A_924] : memref<1000x2048xf32, #tpu.memory_space<vmem>>, vector<8x2048xf32>
    %exp3A_926 = math.exp %get3A_925 : vector<8x2048xf32>
    %add3A_927 = arith.addf %add3A_916, %exp3A_926 : vector<8x2048xf32>
    %gt3A_928 = arith.cmpf ogt, %exp3A_926, %max3A_922 : vector<8x2048xf32>
    %add3A_929 = arith.constant 672 : i32
    %add3A_930 = vector.broadcast %add3A_929 : i32 to vector<8x2048xi32>
    %add3A_931 = arith.addi %iota3A, %add3A_930 : vector<8x2048xi32>
    %select_n3A_932 = arith.select %gt3A_928, %add3A_931, %select_n3A_921 : vector<8x2048xi1>, vector<8x2048xi32>
    %max3A_933 = arith.maximumf %max3A_922, %exp3A_926 : vector<8x2048xf32>
    %get3A_934 = arith.constant 680 : index
    %get3A_935 = arith.constant 0 : index
    %get3A_936 = vector.load %arg1[%get3A_934, %get3A_935] : memref<1000x2048xf32, #tpu.memory_space<vmem>>, vector<8x2048xf32>
    %exp3A_937 = math.exp %get3A_936 : vector<8x2048xf32>
    %add3A_938 = arith.addf %add3A_927, %exp3A_937 : vector<8x2048xf32>
    %gt3A_939 = arith.cmpf ogt, %exp3A_937, %max3A_933 : vector<8x2048xf32>
    %add3A_940 = arith.constant 680 : i32
    %add3A_941 = vector.broadcast %add3A_940 : i32 to vector<8x2048xi32>
    %add3A_942 = arith.addi %iota3A, %add3A_941 : vector<8x2048xi32>
    %select_n3A_943 = arith.select %gt3A_939, %add3A_942, %select_n3A_932 : vector<8x2048xi1>, vector<8x2048xi32>
    %max3A_944 = arith.maximumf %max3A_933, %exp3A_937 : vector<8x2048xf32>
    %get3A_945 = arith.constant 688 : index
    %get3A_946 = arith.constant 0 : index
    %get3A_947 = vector.load %arg1[%get3A_945, %get3A_946] : memref<1000x2048xf32, #tpu.memory_space<vmem>>, vector<8x2048xf32>
    %exp3A_948 = math.exp %get3A_947 : vector<8x2048xf32>
    %add3A_949 = arith.addf %add3A_938, %exp3A_948 : vector<8x2048xf32>
    %gt3A_950 = arith.cmpf ogt, %exp3A_948, %max3A_944 : vector<8x2048xf32>
    %add3A_951 = arith.constant 688 : i32
    %add3A_952 = vector.broadcast %add3A_951 : i32 to vector<8x2048xi32>
    %add3A_953 = arith.addi %iota3A, %add3A_952 : vector<8x2048xi32>
    %select_n3A_954 = arith.select %gt3A_950, %add3A_953, %select_n3A_943 : vector<8x2048xi1>, vector<8x2048xi32>
    %max3A_955 = arith.maximumf %max3A_944, %exp3A_948 : vector<8x2048xf32>
    %get3A_956 = arith.constant 696 : index
    %get3A_957 = arith.constant 0 : index
    %get3A_958 = vector.load %arg1[%get3A_956, %get3A_957] : memref<1000x2048xf32, #tpu.memory_space<vmem>>, vector<8x2048xf32>
    %exp3A_959 = math.exp %get3A_958 : vector<8x2048xf32>
    %add3A_960 = arith.addf %add3A_949, %exp3A_959 : vector<8x2048xf32>
    %gt3A_961 = arith.cmpf ogt, %exp3A_959, %max3A_955 : vector<8x2048xf32>
    %add3A_962 = arith.constant 696 : i32
    %add3A_963 = vector.broadcast %add3A_962 : i32 to vector<8x2048xi32>
    %add3A_964 = arith.addi %iota3A, %add3A_963 : vector<8x2048xi32>
    %select_n3A_965 = arith.select %gt3A_961, %add3A_964, %select_n3A_954 : vector<8x2048xi1>, vector<8x2048xi32>
    %max3A_966 = arith.maximumf %max3A_955, %exp3A_959 : vector<8x2048xf32>
    %get3A_967 = arith.constant 704 : index
    %get3A_968 = arith.constant 0 : index
    %get3A_969 = vector.load %arg1[%get3A_967, %get3A_968] : memref<1000x2048xf32, #tpu.memory_space<vmem>>, vector<8x2048xf32>
    %exp3A_970 = math.exp %get3A_969 : vector<8x2048xf32>
    %add3A_971 = arith.addf %add3A_960, %exp3A_970 : vector<8x2048xf32>
    %gt3A_972 = arith.cmpf ogt, %exp3A_970, %max3A_966 : vector<8x2048xf32>
    %add3A_973 = arith.constant 704 : i32
    %add3A_974 = vector.broadcast %add3A_973 : i32 to vector<8x2048xi32>
    %add3A_975 = arith.addi %iota3A, %add3A_974 : vector<8x2048xi32>
    %select_n3A_976 = arith.select %gt3A_972, %add3A_975, %select_n3A_965 : vector<8x2048xi1>, vector<8x2048xi32>
    %max3A_977 = arith.maximumf %max3A_966, %exp3A_970 : vector<8x2048xf32>
    %get3A_978 = arith.constant 712 : index
    %get3A_979 = arith.constant 0 : index
    %get3A_980 = vector.load %arg1[%get3A_978, %get3A_979] : memref<1000x2048xf32, #tpu.memory_space<vmem>>, vector<8x2048xf32>
    %exp3A_981 = math.exp %get3A_980 : vector<8x2048xf32>
    %add3A_982 = arith.addf %add3A_971, %exp3A_981 : vector<8x2048xf32>
    %gt3A_983 = arith.cmpf ogt, %exp3A_981, %max3A_977 : vector<8x2048xf32>
    %add3A_984 = arith.constant 712 : i32
    %add3A_985 = vector.broadcast %add3A_984 : i32 to vector<8x2048xi32>
    %add3A_986 = arith.addi %iota3A, %add3A_985 : vector<8x2048xi32>
    %select_n3A_987 = arith.select %gt3A_983, %add3A_986, %select_n3A_976 : vector<8x2048xi1>, vector<8x2048xi32>
    %max3A_988 = arith.maximumf %max3A_977, %exp3A_981 : vector<8x2048xf32>
    %get3A_989 = arith.constant 720 : index
    %get3A_990 = arith.constant 0 : index
    %get3A_991 = vector.load %arg1[%get3A_989, %get3A_990] : memref<1000x2048xf32, #tpu.memory_space<vmem>>, vector<8x2048xf32>
    %exp3A_992 = math.exp %get3A_991 : vector<8x2048xf32>
    %add3A_993 = arith.addf %add3A_982, %exp3A_992 : vector<8x2048xf32>
    %gt3A_994 = arith.cmpf ogt, %exp3A_992, %max3A_988 : vector<8x2048xf32>
    %add3A_995 = arith.constant 720 : i32
    %add3A_996 = vector.broadcast %add3A_995 : i32 to vector<8x2048xi32>
    %add3A_997 = arith.addi %iota3A, %add3A_996 : vector<8x2048xi32>
    %select_n3A_998 = arith.select %gt3A_994, %add3A_997, %select_n3A_987 : vector<8x2048xi1>, vector<8x2048xi32>
    %max3A_999 = arith.maximumf %max3A_988, %exp3A_992 : vector<8x2048xf32>
    %get3A_1000 = arith.constant 728 : index
    %get3A_1001 = arith.constant 0 : index
    %get3A_1002 = vector.load %arg1[%get3A_1000, %get3A_1001] : memref<1000x2048xf32, #tpu.memory_space<vmem>>, vector<8x2048xf32>
    %exp3A_1003 = math.exp %get3A_1002 : vector<8x2048xf32>
    %add3A_1004 = arith.addf %add3A_993, %exp3A_1003 : vector<8x2048xf32>
    %gt3A_1005 = arith.cmpf ogt, %exp3A_1003, %max3A_999 : vector<8x2048xf32>
    %add3A_1006 = arith.constant 728 : i32
    %add3A_1007 = vector.broadcast %add3A_1006 : i32 to vector<8x2048xi32>
    %add3A_1008 = arith.addi %iota3A, %add3A_1007 : vector<8x2048xi32>
    %select_n3A_1009 = arith.select %gt3A_1005, %add3A_1008, %select_n3A_998 : vector<8x2048xi1>, vector<8x2048xi32>
    %max3A_1010 = arith.maximumf %max3A_999, %exp3A_1003 : vector<8x2048xf32>
    %get3A_1011 = arith.constant 736 : index
    %get3A_1012 = arith.constant 0 : index
    %get3A_1013 = vector.load %arg1[%get3A_1011, %get3A_1012] : memref<1000x2048xf32, #tpu.memory_space<vmem>>, vector<8x2048xf32>
    %exp3A_1014 = math.exp %get3A_1013 : vector<8x2048xf32>
    %add3A_1015 = arith.addf %add3A_1004, %exp3A_1014 : vector<8x2048xf32>
    %gt3A_1016 = arith.cmpf ogt, %exp3A_1014, %max3A_1010 : vector<8x2048xf32>
    %add3A_1017 = arith.constant 736 : i32
    %add3A_1018 = vector.broadcast %add3A_1017 : i32 to vector<8x2048xi32>
    %add3A_1019 = arith.addi %iota3A, %add3A_1018 : vector<8x2048xi32>
    %select_n3A_1020 = arith.select %gt3A_1016, %add3A_1019, %select_n3A_1009 : vector<8x2048xi1>, vector<8x2048xi32>
    %max3A_1021 = arith.maximumf %max3A_1010, %exp3A_1014 : vector<8x2048xf32>
    %get3A_1022 = arith.constant 744 : index
    %get3A_1023 = arith.constant 0 : index
    %get3A_1024 = vector.load %arg1[%get3A_1022, %get3A_1023] : memref<1000x2048xf32, #tpu.memory_space<vmem>>, vector<8x2048xf32>
    %exp3A_1025 = math.exp %get3A_1024 : vector<8x2048xf32>
    %add3A_1026 = arith.addf %add3A_1015, %exp3A_1025 : vector<8x2048xf32>
    %gt3A_1027 = arith.cmpf ogt, %exp3A_1025, %max3A_1021 : vector<8x2048xf32>
    %add3A_1028 = arith.constant 744 : i32
    %add3A_1029 = vector.broadcast %add3A_1028 : i32 to vector<8x2048xi32>
    %add3A_1030 = arith.addi %iota3A, %add3A_1029 : vector<8x2048xi32>
    %select_n3A_1031 = arith.select %gt3A_1027, %add3A_1030, %select_n3A_1020 : vector<8x2048xi1>, vector<8x2048xi32>
    %max3A_1032 = arith.maximumf %max3A_1021, %exp3A_1025 : vector<8x2048xf32>
    %get3A_1033 = arith.constant 752 : index
    %get3A_1034 = arith.constant 0 : index
    %get3A_1035 = vector.load %arg1[%get3A_1033, %get3A_1034] : memref<1000x2048xf32, #tpu.memory_space<vmem>>, vector<8x2048xf32>
    %exp3A_1036 = math.exp %get3A_1035 : vector<8x2048xf32>
    %add3A_1037 = arith.addf %add3A_1026, %exp3A_1036 : vector<8x2048xf32>
    %gt3A_1038 = arith.cmpf ogt, %exp3A_1036, %max3A_1032 : vector<8x2048xf32>
    %add3A_1039 = arith.constant 752 : i32
    %add3A_1040 = vector.broadcast %add3A_1039 : i32 to vector<8x2048xi32>
    %add3A_1041 = arith.addi %iota3A, %add3A_1040 : vector<8x2048xi32>
    %select_n3A_1042 = arith.select %gt3A_1038, %add3A_1041, %select_n3A_1031 : vector<8x2048xi1>, vector<8x2048xi32>
    %max3A_1043 = arith.maximumf %max3A_1032, %exp3A_1036 : vector<8x2048xf32>
    %get3A_1044 = arith.constant 760 : index
    %get3A_1045 = arith.constant 0 : index
    %get3A_1046 = vector.load %arg1[%get3A_1044, %get3A_1045] : memref<1000x2048xf32, #tpu.memory_space<vmem>>, vector<8x2048xf32>
    %exp3A_1047 = math.exp %get3A_1046 : vector<8x2048xf32>
    %add3A_1048 = arith.addf %add3A_1037, %exp3A_1047 : vector<8x2048xf32>
    %gt3A_1049 = arith.cmpf ogt, %exp3A_1047, %max3A_1043 : vector<8x2048xf32>
    %add3A_1050 = arith.constant 760 : i32
    %add3A_1051 = vector.broadcast %add3A_1050 : i32 to vector<8x2048xi32>
    %add3A_1052 = arith.addi %iota3A, %add3A_1051 : vector<8x2048xi32>
    %select_n3A_1053 = arith.select %gt3A_1049, %add3A_1052, %select_n3A_1042 : vector<8x2048xi1>, vector<8x2048xi32>
    %max3A_1054 = arith.maximumf %max3A_1043, %exp3A_1047 : vector<8x2048xf32>
    %get3A_1055 = arith.constant 768 : index
    %get3A_1056 = arith.constant 0 : index
    %get3A_1057 = vector.load %arg1[%get3A_1055, %get3A_1056] : memref<1000x2048xf32, #tpu.memory_space<vmem>>, vector<8x2048xf32>
    %exp3A_1058 = math.exp %get3A_1057 : vector<8x2048xf32>
    %add3A_1059 = arith.addf %add3A_1048, %exp3A_1058 : vector<8x2048xf32>
    %gt3A_1060 = arith.cmpf ogt, %exp3A_1058, %max3A_1054 : vector<8x2048xf32>
    %add3A_1061 = arith.constant 768 : i32
    %add3A_1062 = vector.broadcast %add3A_1061 : i32 to vector<8x2048xi32>
    %add3A_1063 = arith.addi %iota3A, %add3A_1062 : vector<8x2048xi32>
    %select_n3A_1064 = arith.select %gt3A_1060, %add3A_1063, %select_n3A_1053 : vector<8x2048xi1>, vector<8x2048xi32>
    %max3A_1065 = arith.maximumf %max3A_1054, %exp3A_1058 : vector<8x2048xf32>
    %get3A_1066 = arith.constant 776 : index
    %get3A_1067 = arith.constant 0 : index
    %get3A_1068 = vector.load %arg1[%get3A_1066, %get3A_1067] : memref<1000x2048xf32, #tpu.memory_space<vmem>>, vector<8x2048xf32>
    %exp3A_1069 = math.exp %get3A_1068 : vector<8x2048xf32>
    %add3A_1070 = arith.addf %add3A_1059, %exp3A_1069 : vector<8x2048xf32>
    %gt3A_1071 = arith.cmpf ogt, %exp3A_1069, %max3A_1065 : vector<8x2048xf32>
    %add3A_1072 = arith.constant 776 : i32
    %add3A_1073 = vector.broadcast %add3A_1072 : i32 to vector<8x2048xi32>
    %add3A_1074 = arith.addi %iota3A, %add3A_1073 : vector<8x2048xi32>
    %select_n3A_1075 = arith.select %gt3A_1071, %add3A_1074, %select_n3A_1064 : vector<8x2048xi1>, vector<8x2048xi32>
    %max3A_1076 = arith.maximumf %max3A_1065, %exp3A_1069 : vector<8x2048xf32>
    %get3A_1077 = arith.constant 784 : index
    %get3A_1078 = arith.constant 0 : index
    %get3A_1079 = vector.load %arg1[%get3A_1077, %get3A_1078] : memref<1000x2048xf32, #tpu.memory_space<vmem>>, vector<8x2048xf32>
    %exp3A_1080 = math.exp %get3A_1079 : vector<8x2048xf32>
    %add3A_1081 = arith.addf %add3A_1070, %exp3A_1080 : vector<8x2048xf32>
    %gt3A_1082 = arith.cmpf ogt, %exp3A_1080, %max3A_1076 : vector<8x2048xf32>
    %add3A_1083 = arith.constant 784 : i32
    %add3A_1084 = vector.broadcast %add3A_1083 : i32 to vector<8x2048xi32>
    %add3A_1085 = arith.addi %iota3A, %add3A_1084 : vector<8x2048xi32>
    %select_n3A_1086 = arith.select %gt3A_1082, %add3A_1085, %select_n3A_1075 : vector<8x2048xi1>, vector<8x2048xi32>
    %max3A_1087 = arith.maximumf %max3A_1076, %exp3A_1080 : vector<8x2048xf32>
    %get3A_1088 = arith.constant 792 : index
    %get3A_1089 = arith.constant 0 : index
    %get3A_1090 = vector.load %arg1[%get3A_1088, %get3A_1089] : memref<1000x2048xf32, #tpu.memory_space<vmem>>, vector<8x2048xf32>
    %exp3A_1091 = math.exp %get3A_1090 : vector<8x2048xf32>
    %add3A_1092 = arith.addf %add3A_1081, %exp3A_1091 : vector<8x2048xf32>
    %gt3A_1093 = arith.cmpf ogt, %exp3A_1091, %max3A_1087 : vector<8x2048xf32>
    %add3A_1094 = arith.constant 792 : i32
    %add3A_1095 = vector.broadcast %add3A_1094 : i32 to vector<8x2048xi32>
    %add3A_1096 = arith.addi %iota3A, %add3A_1095 : vector<8x2048xi32>
    %select_n3A_1097 = arith.select %gt3A_1093, %add3A_1096, %select_n3A_1086 : vector<8x2048xi1>, vector<8x2048xi32>
    %max3A_1098 = arith.maximumf %max3A_1087, %exp3A_1091 : vector<8x2048xf32>
    %get3A_1099 = arith.constant 800 : index
    %get3A_1100 = arith.constant 0 : index
    %get3A_1101 = vector.load %arg1[%get3A_1099, %get3A_1100] : memref<1000x2048xf32, #tpu.memory_space<vmem>>, vector<8x2048xf32>
    %exp3A_1102 = math.exp %get3A_1101 : vector<8x2048xf32>
    %add3A_1103 = arith.addf %add3A_1092, %exp3A_1102 : vector<8x2048xf32>
    %gt3A_1104 = arith.cmpf ogt, %exp3A_1102, %max3A_1098 : vector<8x2048xf32>
    %add3A_1105 = arith.constant 800 : i32
    %add3A_1106 = vector.broadcast %add3A_1105 : i32 to vector<8x2048xi32>
    %add3A_1107 = arith.addi %iota3A, %add3A_1106 : vector<8x2048xi32>
    %select_n3A_1108 = arith.select %gt3A_1104, %add3A_1107, %select_n3A_1097 : vector<8x2048xi1>, vector<8x2048xi32>
    %max3A_1109 = arith.maximumf %max3A_1098, %exp3A_1102 : vector<8x2048xf32>
    %get3A_1110 = arith.constant 808 : index
    %get3A_1111 = arith.constant 0 : index
    %get3A_1112 = vector.load %arg1[%get3A_1110, %get3A_1111] : memref<1000x2048xf32, #tpu.memory_space<vmem>>, vector<8x2048xf32>
    %exp3A_1113 = math.exp %get3A_1112 : vector<8x2048xf32>
    %add3A_1114 = arith.addf %add3A_1103, %exp3A_1113 : vector<8x2048xf32>
    %gt3A_1115 = arith.cmpf ogt, %exp3A_1113, %max3A_1109 : vector<8x2048xf32>
    %add3A_1116 = arith.constant 808 : i32
    %add3A_1117 = vector.broadcast %add3A_1116 : i32 to vector<8x2048xi32>
    %add3A_1118 = arith.addi %iota3A, %add3A_1117 : vector<8x2048xi32>
    %select_n3A_1119 = arith.select %gt3A_1115, %add3A_1118, %select_n3A_1108 : vector<8x2048xi1>, vector<8x2048xi32>
    %max3A_1120 = arith.maximumf %max3A_1109, %exp3A_1113 : vector<8x2048xf32>
    %get3A_1121 = arith.constant 816 : index
    %get3A_1122 = arith.constant 0 : index
    %get3A_1123 = vector.load %arg1[%get3A_1121, %get3A_1122] : memref<1000x2048xf32, #tpu.memory_space<vmem>>, vector<8x2048xf32>
    %exp3A_1124 = math.exp %get3A_1123 : vector<8x2048xf32>
    %add3A_1125 = arith.addf %add3A_1114, %exp3A_1124 : vector<8x2048xf32>
    %gt3A_1126 = arith.cmpf ogt, %exp3A_1124, %max3A_1120 : vector<8x2048xf32>
    %add3A_1127 = arith.constant 816 : i32
    %add3A_1128 = vector.broadcast %add3A_1127 : i32 to vector<8x2048xi32>
    %add3A_1129 = arith.addi %iota3A, %add3A_1128 : vector<8x2048xi32>
    %select_n3A_1130 = arith.select %gt3A_1126, %add3A_1129, %select_n3A_1119 : vector<8x2048xi1>, vector<8x2048xi32>
    %max3A_1131 = arith.maximumf %max3A_1120, %exp3A_1124 : vector<8x2048xf32>
    %get3A_1132 = arith.constant 824 : index
    %get3A_1133 = arith.constant 0 : index
    %get3A_1134 = vector.load %arg1[%get3A_1132, %get3A_1133] : memref<1000x2048xf32, #tpu.memory_space<vmem>>, vector<8x2048xf32>
    %exp3A_1135 = math.exp %get3A_1134 : vector<8x2048xf32>
    %add3A_1136 = arith.addf %add3A_1125, %exp3A_1135 : vector<8x2048xf32>
    %gt3A_1137 = arith.cmpf ogt, %exp3A_1135, %max3A_1131 : vector<8x2048xf32>
    %add3A_1138 = arith.constant 824 : i32
    %add3A_1139 = vector.broadcast %add3A_1138 : i32 to vector<8x2048xi32>
    %add3A_1140 = arith.addi %iota3A, %add3A_1139 : vector<8x2048xi32>
    %select_n3A_1141 = arith.select %gt3A_1137, %add3A_1140, %select_n3A_1130 : vector<8x2048xi1>, vector<8x2048xi32>
    %max3A_1142 = arith.maximumf %max3A_1131, %exp3A_1135 : vector<8x2048xf32>
    %get3A_1143 = arith.constant 832 : index
    %get3A_1144 = arith.constant 0 : index
    %get3A_1145 = vector.load %arg1[%get3A_1143, %get3A_1144] : memref<1000x2048xf32, #tpu.memory_space<vmem>>, vector<8x2048xf32>
    %exp3A_1146 = math.exp %get3A_1145 : vector<8x2048xf32>
    %add3A_1147 = arith.addf %add3A_1136, %exp3A_1146 : vector<8x2048xf32>
    %gt3A_1148 = arith.cmpf ogt, %exp3A_1146, %max3A_1142 : vector<8x2048xf32>
    %add3A_1149 = arith.constant 832 : i32
    %add3A_1150 = vector.broadcast %add3A_1149 : i32 to vector<8x2048xi32>
    %add3A_1151 = arith.addi %iota3A, %add3A_1150 : vector<8x2048xi32>
    %select_n3A_1152 = arith.select %gt3A_1148, %add3A_1151, %select_n3A_1141 : vector<8x2048xi1>, vector<8x2048xi32>
    %max3A_1153 = arith.maximumf %max3A_1142, %exp3A_1146 : vector<8x2048xf32>
    %get3A_1154 = arith.constant 840 : index
    %get3A_1155 = arith.constant 0 : index
    %get3A_1156 = vector.load %arg1[%get3A_1154, %get3A_1155] : memref<1000x2048xf32, #tpu.memory_space<vmem>>, vector<8x2048xf32>
    %exp3A_1157 = math.exp %get3A_1156 : vector<8x2048xf32>
    %add3A_1158 = arith.addf %add3A_1147, %exp3A_1157 : vector<8x2048xf32>
    %gt3A_1159 = arith.cmpf ogt, %exp3A_1157, %max3A_1153 : vector<8x2048xf32>
    %add3A_1160 = arith.constant 840 : i32
    %add3A_1161 = vector.broadcast %add3A_1160 : i32 to vector<8x2048xi32>
    %add3A_1162 = arith.addi %iota3A, %add3A_1161 : vector<8x2048xi32>
    %select_n3A_1163 = arith.select %gt3A_1159, %add3A_1162, %select_n3A_1152 : vector<8x2048xi1>, vector<8x2048xi32>
    %max3A_1164 = arith.maximumf %max3A_1153, %exp3A_1157 : vector<8x2048xf32>
    %get3A_1165 = arith.constant 848 : index
    %get3A_1166 = arith.constant 0 : index
    %get3A_1167 = vector.load %arg1[%get3A_1165, %get3A_1166] : memref<1000x2048xf32, #tpu.memory_space<vmem>>, vector<8x2048xf32>
    %exp3A_1168 = math.exp %get3A_1167 : vector<8x2048xf32>
    %add3A_1169 = arith.addf %add3A_1158, %exp3A_1168 : vector<8x2048xf32>
    %gt3A_1170 = arith.cmpf ogt, %exp3A_1168, %max3A_1164 : vector<8x2048xf32>
    %add3A_1171 = arith.constant 848 : i32
    %add3A_1172 = vector.broadcast %add3A_1171 : i32 to vector<8x2048xi32>
    %add3A_1173 = arith.addi %iota3A, %add3A_1172 : vector<8x2048xi32>
    %select_n3A_1174 = arith.select %gt3A_1170, %add3A_1173, %select_n3A_1163 : vector<8x2048xi1>, vector<8x2048xi32>
    %max3A_1175 = arith.maximumf %max3A_1164, %exp3A_1168 : vector<8x2048xf32>
    %get3A_1176 = arith.constant 856 : index
    %get3A_1177 = arith.constant 0 : index
    %get3A_1178 = vector.load %arg1[%get3A_1176, %get3A_1177] : memref<1000x2048xf32, #tpu.memory_space<vmem>>, vector<8x2048xf32>
    %exp3A_1179 = math.exp %get3A_1178 : vector<8x2048xf32>
    %add3A_1180 = arith.addf %add3A_1169, %exp3A_1179 : vector<8x2048xf32>
    %gt3A_1181 = arith.cmpf ogt, %exp3A_1179, %max3A_1175 : vector<8x2048xf32>
    %add3A_1182 = arith.constant 856 : i32
    %add3A_1183 = vector.broadcast %add3A_1182 : i32 to vector<8x2048xi32>
    %add3A_1184 = arith.addi %iota3A, %add3A_1183 : vector<8x2048xi32>
    %select_n3A_1185 = arith.select %gt3A_1181, %add3A_1184, %select_n3A_1174 : vector<8x2048xi1>, vector<8x2048xi32>
    %max3A_1186 = arith.maximumf %max3A_1175, %exp3A_1179 : vector<8x2048xf32>
    %get3A_1187 = arith.constant 864 : index
    %get3A_1188 = arith.constant 0 : index
    %get3A_1189 = vector.load %arg1[%get3A_1187, %get3A_1188] : memref<1000x2048xf32, #tpu.memory_space<vmem>>, vector<8x2048xf32>
    %exp3A_1190 = math.exp %get3A_1189 : vector<8x2048xf32>
    %add3A_1191 = arith.addf %add3A_1180, %exp3A_1190 : vector<8x2048xf32>
    %gt3A_1192 = arith.cmpf ogt, %exp3A_1190, %max3A_1186 : vector<8x2048xf32>
    %add3A_1193 = arith.constant 864 : i32
    %add3A_1194 = vector.broadcast %add3A_1193 : i32 to vector<8x2048xi32>
    %add3A_1195 = arith.addi %iota3A, %add3A_1194 : vector<8x2048xi32>
    %select_n3A_1196 = arith.select %gt3A_1192, %add3A_1195, %select_n3A_1185 : vector<8x2048xi1>, vector<8x2048xi32>
    %max3A_1197 = arith.maximumf %max3A_1186, %exp3A_1190 : vector<8x2048xf32>
    %get3A_1198 = arith.constant 872 : index
    %get3A_1199 = arith.constant 0 : index
    %get3A_1200 = vector.load %arg1[%get3A_1198, %get3A_1199] : memref<1000x2048xf32, #tpu.memory_space<vmem>>, vector<8x2048xf32>
    %exp3A_1201 = math.exp %get3A_1200 : vector<8x2048xf32>
    %add3A_1202 = arith.addf %add3A_1191, %exp3A_1201 : vector<8x2048xf32>
    %gt3A_1203 = arith.cmpf ogt, %exp3A_1201, %max3A_1197 : vector<8x2048xf32>
    %add3A_1204 = arith.constant 872 : i32
    %add3A_1205 = vector.broadcast %add3A_1204 : i32 to vector<8x2048xi32>
    %add3A_1206 = arith.addi %iota3A, %add3A_1205 : vector<8x2048xi32>
    %select_n3A_1207 = arith.select %gt3A_1203, %add3A_1206, %select_n3A_1196 : vector<8x2048xi1>, vector<8x2048xi32>
    %max3A_1208 = arith.maximumf %max3A_1197, %exp3A_1201 : vector<8x2048xf32>
    %get3A_1209 = arith.constant 880 : index
    %get3A_1210 = arith.constant 0 : index
    %get3A_1211 = vector.load %arg1[%get3A_1209, %get3A_1210] : memref<1000x2048xf32, #tpu.memory_space<vmem>>, vector<8x2048xf32>
    %exp3A_1212 = math.exp %get3A_1211 : vector<8x2048xf32>
    %add3A_1213 = arith.addf %add3A_1202, %exp3A_1212 : vector<8x2048xf32>
    %gt3A_1214 = arith.cmpf ogt, %exp3A_1212, %max3A_1208 : vector<8x2048xf32>
    %add3A_1215 = arith.constant 880 : i32
    %add3A_1216 = vector.broadcast %add3A_1215 : i32 to vector<8x2048xi32>
    %add3A_1217 = arith.addi %iota3A, %add3A_1216 : vector<8x2048xi32>
    %select_n3A_1218 = arith.select %gt3A_1214, %add3A_1217, %select_n3A_1207 : vector<8x2048xi1>, vector<8x2048xi32>
    %max3A_1219 = arith.maximumf %max3A_1208, %exp3A_1212 : vector<8x2048xf32>
    %get3A_1220 = arith.constant 888 : index
    %get3A_1221 = arith.constant 0 : index
    %get3A_1222 = vector.load %arg1[%get3A_1220, %get3A_1221] : memref<1000x2048xf32, #tpu.memory_space<vmem>>, vector<8x2048xf32>
    %exp3A_1223 = math.exp %get3A_1222 : vector<8x2048xf32>
    %add3A_1224 = arith.addf %add3A_1213, %exp3A_1223 : vector<8x2048xf32>
    %gt3A_1225 = arith.cmpf ogt, %exp3A_1223, %max3A_1219 : vector<8x2048xf32>
    %add3A_1226 = arith.constant 888 : i32
    %add3A_1227 = vector.broadcast %add3A_1226 : i32 to vector<8x2048xi32>
    %add3A_1228 = arith.addi %iota3A, %add3A_1227 : vector<8x2048xi32>
    %select_n3A_1229 = arith.select %gt3A_1225, %add3A_1228, %select_n3A_1218 : vector<8x2048xi1>, vector<8x2048xi32>
    %max3A_1230 = arith.maximumf %max3A_1219, %exp3A_1223 : vector<8x2048xf32>
    %get3A_1231 = arith.constant 896 : index
    %get3A_1232 = arith.constant 0 : index
    %get3A_1233 = vector.load %arg1[%get3A_1231, %get3A_1232] : memref<1000x2048xf32, #tpu.memory_space<vmem>>, vector<8x2048xf32>
    %exp3A_1234 = math.exp %get3A_1233 : vector<8x2048xf32>
    %add3A_1235 = arith.addf %add3A_1224, %exp3A_1234 : vector<8x2048xf32>
    %gt3A_1236 = arith.cmpf ogt, %exp3A_1234, %max3A_1230 : vector<8x2048xf32>
    %add3A_1237 = arith.constant 896 : i32
    %add3A_1238 = vector.broadcast %add3A_1237 : i32 to vector<8x2048xi32>
    %add3A_1239 = arith.addi %iota3A, %add3A_1238 : vector<8x2048xi32>
    %select_n3A_1240 = arith.select %gt3A_1236, %add3A_1239, %select_n3A_1229 : vector<8x2048xi1>, vector<8x2048xi32>
    %max3A_1241 = arith.maximumf %max3A_1230, %exp3A_1234 : vector<8x2048xf32>
    %get3A_1242 = arith.constant 904 : index
    %get3A_1243 = arith.constant 0 : index
    %get3A_1244 = vector.load %arg1[%get3A_1242, %get3A_1243] : memref<1000x2048xf32, #tpu.memory_space<vmem>>, vector<8x2048xf32>
    %exp3A_1245 = math.exp %get3A_1244 : vector<8x2048xf32>
    %add3A_1246 = arith.addf %add3A_1235, %exp3A_1245 : vector<8x2048xf32>
    %gt3A_1247 = arith.cmpf ogt, %exp3A_1245, %max3A_1241 : vector<8x2048xf32>
    %add3A_1248 = arith.constant 904 : i32
    %add3A_1249 = vector.broadcast %add3A_1248 : i32 to vector<8x2048xi32>
    %add3A_1250 = arith.addi %iota3A, %add3A_1249 : vector<8x2048xi32>
    %select_n3A_1251 = arith.select %gt3A_1247, %add3A_1250, %select_n3A_1240 : vector<8x2048xi1>, vector<8x2048xi32>
    %max3A_1252 = arith.maximumf %max3A_1241, %exp3A_1245 : vector<8x2048xf32>
    %get3A_1253 = arith.constant 912 : index
    %get3A_1254 = arith.constant 0 : index
    %get3A_1255 = vector.load %arg1[%get3A_1253, %get3A_1254] : memref<1000x2048xf32, #tpu.memory_space<vmem>>, vector<8x2048xf32>
    %exp3A_1256 = math.exp %get3A_1255 : vector<8x2048xf32>
    %add3A_1257 = arith.addf %add3A_1246, %exp3A_1256 : vector<8x2048xf32>
    %gt3A_1258 = arith.cmpf ogt, %exp3A_1256, %max3A_1252 : vector<8x2048xf32>
    %add3A_1259 = arith.constant 912 : i32
    %add3A_1260 = vector.broadcast %add3A_1259 : i32 to vector<8x2048xi32>
    %add3A_1261 = arith.addi %iota3A, %add3A_1260 : vector<8x2048xi32>
    %select_n3A_1262 = arith.select %gt3A_1258, %add3A_1261, %select_n3A_1251 : vector<8x2048xi1>, vector<8x2048xi32>
    %max3A_1263 = arith.maximumf %max3A_1252, %exp3A_1256 : vector<8x2048xf32>
    %get3A_1264 = arith.constant 920 : index
    %get3A_1265 = arith.constant 0 : index
    %get3A_1266 = vector.load %arg1[%get3A_1264, %get3A_1265] : memref<1000x2048xf32, #tpu.memory_space<vmem>>, vector<8x2048xf32>
    %exp3A_1267 = math.exp %get3A_1266 : vector<8x2048xf32>
    %add3A_1268 = arith.addf %add3A_1257, %exp3A_1267 : vector<8x2048xf32>
    %gt3A_1269 = arith.cmpf ogt, %exp3A_1267, %max3A_1263 : vector<8x2048xf32>
    %add3A_1270 = arith.constant 920 : i32
    %add3A_1271 = vector.broadcast %add3A_1270 : i32 to vector<8x2048xi32>
    %add3A_1272 = arith.addi %iota3A, %add3A_1271 : vector<8x2048xi32>
    %select_n3A_1273 = arith.select %gt3A_1269, %add3A_1272, %select_n3A_1262 : vector<8x2048xi1>, vector<8x2048xi32>
    %max3A_1274 = arith.maximumf %max3A_1263, %exp3A_1267 : vector<8x2048xf32>
    %get3A_1275 = arith.constant 928 : index
    %get3A_1276 = arith.constant 0 : index
    %get3A_1277 = vector.load %arg1[%get3A_1275, %get3A_1276] : memref<1000x2048xf32, #tpu.memory_space<vmem>>, vector<8x2048xf32>
    %exp3A_1278 = math.exp %get3A_1277 : vector<8x2048xf32>
    %add3A_1279 = arith.addf %add3A_1268, %exp3A_1278 : vector<8x2048xf32>
    %gt3A_1280 = arith.cmpf ogt, %exp3A_1278, %max3A_1274 : vector<8x2048xf32>
    %add3A_1281 = arith.constant 928 : i32
    %add3A_1282 = vector.broadcast %add3A_1281 : i32 to vector<8x2048xi32>
    %add3A_1283 = arith.addi %iota3A, %add3A_1282 : vector<8x2048xi32>
    %select_n3A_1284 = arith.select %gt3A_1280, %add3A_1283, %select_n3A_1273 : vector<8x2048xi1>, vector<8x2048xi32>
    %max3A_1285 = arith.maximumf %max3A_1274, %exp3A_1278 : vector<8x2048xf32>
    %get3A_1286 = arith.constant 936 : index
    %get3A_1287 = arith.constant 0 : index
    %get3A_1288 = vector.load %arg1[%get3A_1286, %get3A_1287] : memref<1000x2048xf32, #tpu.memory_space<vmem>>, vector<8x2048xf32>
    %exp3A_1289 = math.exp %get3A_1288 : vector<8x2048xf32>
    %add3A_1290 = arith.addf %add3A_1279, %exp3A_1289 : vector<8x2048xf32>
    %gt3A_1291 = arith.cmpf ogt, %exp3A_1289, %max3A_1285 : vector<8x2048xf32>
    %add3A_1292 = arith.constant 936 : i32
    %add3A_1293 = vector.broadcast %add3A_1292 : i32 to vector<8x2048xi32>
    %add3A_1294 = arith.addi %iota3A, %add3A_1293 : vector<8x2048xi32>
    %select_n3A_1295 = arith.select %gt3A_1291, %add3A_1294, %select_n3A_1284 : vector<8x2048xi1>, vector<8x2048xi32>
    %max3A_1296 = arith.maximumf %max3A_1285, %exp3A_1289 : vector<8x2048xf32>
    %get3A_1297 = arith.constant 944 : index
    %get3A_1298 = arith.constant 0 : index
    %get3A_1299 = vector.load %arg1[%get3A_1297, %get3A_1298] : memref<1000x2048xf32, #tpu.memory_space<vmem>>, vector<8x2048xf32>
    %exp3A_1300 = math.exp %get3A_1299 : vector<8x2048xf32>
    %add3A_1301 = arith.addf %add3A_1290, %exp3A_1300 : vector<8x2048xf32>
    %gt3A_1302 = arith.cmpf ogt, %exp3A_1300, %max3A_1296 : vector<8x2048xf32>
    %add3A_1303 = arith.constant 944 : i32
    %add3A_1304 = vector.broadcast %add3A_1303 : i32 to vector<8x2048xi32>
    %add3A_1305 = arith.addi %iota3A, %add3A_1304 : vector<8x2048xi32>
    %select_n3A_1306 = arith.select %gt3A_1302, %add3A_1305, %select_n3A_1295 : vector<8x2048xi1>, vector<8x2048xi32>
    %max3A_1307 = arith.maximumf %max3A_1296, %exp3A_1300 : vector<8x2048xf32>
    %get3A_1308 = arith.constant 952 : index
    %get3A_1309 = arith.constant 0 : index
    %get3A_1310 = vector.load %arg1[%get3A_1308, %get3A_1309] : memref<1000x2048xf32, #tpu.memory_space<vmem>>, vector<8x2048xf32>
    %exp3A_1311 = math.exp %get3A_1310 : vector<8x2048xf32>
    %add3A_1312 = arith.addf %add3A_1301, %exp3A_1311 : vector<8x2048xf32>
    %gt3A_1313 = arith.cmpf ogt, %exp3A_1311, %max3A_1307 : vector<8x2048xf32>
    %add3A_1314 = arith.constant 952 : i32
    %add3A_1315 = vector.broadcast %add3A_1314 : i32 to vector<8x2048xi32>
    %add3A_1316 = arith.addi %iota3A, %add3A_1315 : vector<8x2048xi32>
    %select_n3A_1317 = arith.select %gt3A_1313, %add3A_1316, %select_n3A_1306 : vector<8x2048xi1>, vector<8x2048xi32>
    %max3A_1318 = arith.maximumf %max3A_1307, %exp3A_1311 : vector<8x2048xf32>
    %get3A_1319 = arith.constant 960 : index
    %get3A_1320 = arith.constant 0 : index
    %get3A_1321 = vector.load %arg1[%get3A_1319, %get3A_1320] : memref<1000x2048xf32, #tpu.memory_space<vmem>>, vector<8x2048xf32>
    %exp3A_1322 = math.exp %get3A_1321 : vector<8x2048xf32>
    %add3A_1323 = arith.addf %add3A_1312, %exp3A_1322 : vector<8x2048xf32>
    %gt3A_1324 = arith.cmpf ogt, %exp3A_1322, %max3A_1318 : vector<8x2048xf32>
    %add3A_1325 = arith.constant 960 : i32
    %add3A_1326 = vector.broadcast %add3A_1325 : i32 to vector<8x2048xi32>
    %add3A_1327 = arith.addi %iota3A, %add3A_1326 : vector<8x2048xi32>
    %select_n3A_1328 = arith.select %gt3A_1324, %add3A_1327, %select_n3A_1317 : vector<8x2048xi1>, vector<8x2048xi32>
    %max3A_1329 = arith.maximumf %max3A_1318, %exp3A_1322 : vector<8x2048xf32>
    %get3A_1330 = arith.constant 968 : index
    %get3A_1331 = arith.constant 0 : index
    %get3A_1332 = vector.load %arg1[%get3A_1330, %get3A_1331] : memref<1000x2048xf32, #tpu.memory_space<vmem>>, vector<8x2048xf32>
    %exp3A_1333 = math.exp %get3A_1332 : vector<8x2048xf32>
    %add3A_1334 = arith.addf %add3A_1323, %exp3A_1333 : vector<8x2048xf32>
    %gt3A_1335 = arith.cmpf ogt, %exp3A_1333, %max3A_1329 : vector<8x2048xf32>
    %add3A_1336 = arith.constant 968 : i32
    %add3A_1337 = vector.broadcast %add3A_1336 : i32 to vector<8x2048xi32>
    %add3A_1338 = arith.addi %iota3A, %add3A_1337 : vector<8x2048xi32>
    %select_n3A_1339 = arith.select %gt3A_1335, %add3A_1338, %select_n3A_1328 : vector<8x2048xi1>, vector<8x2048xi32>
    %max3A_1340 = arith.maximumf %max3A_1329, %exp3A_1333 : vector<8x2048xf32>
    %get3A_1341 = arith.constant 976 : index
    %get3A_1342 = arith.constant 0 : index
    %get3A_1343 = vector.load %arg1[%get3A_1341, %get3A_1342] : memref<1000x2048xf32, #tpu.memory_space<vmem>>, vector<8x2048xf32>
    %exp3A_1344 = math.exp %get3A_1343 : vector<8x2048xf32>
    %add3A_1345 = arith.addf %add3A_1334, %exp3A_1344 : vector<8x2048xf32>
    %gt3A_1346 = arith.cmpf ogt, %exp3A_1344, %max3A_1340 : vector<8x2048xf32>
    %add3A_1347 = arith.constant 976 : i32
    %add3A_1348 = vector.broadcast %add3A_1347 : i32 to vector<8x2048xi32>
    %add3A_1349 = arith.addi %iota3A, %add3A_1348 : vector<8x2048xi32>
    %select_n3A_1350 = arith.select %gt3A_1346, %add3A_1349, %select_n3A_1339 : vector<8x2048xi1>, vector<8x2048xi32>
    %max3A_1351 = arith.maximumf %max3A_1340, %exp3A_1344 : vector<8x2048xf32>
    %get3A_1352 = arith.constant 984 : index
    %get3A_1353 = arith.constant 0 : index
    %get3A_1354 = vector.load %arg1[%get3A_1352, %get3A_1353] : memref<1000x2048xf32, #tpu.memory_space<vmem>>, vector<8x2048xf32>
    %exp3A_1355 = math.exp %get3A_1354 : vector<8x2048xf32>
    %add3A_1356 = arith.addf %add3A_1345, %exp3A_1355 : vector<8x2048xf32>
    %gt3A_1357 = arith.cmpf ogt, %exp3A_1355, %max3A_1351 : vector<8x2048xf32>
    %add3A_1358 = arith.constant 984 : i32
    %add3A_1359 = vector.broadcast %add3A_1358 : i32 to vector<8x2048xi32>
    %add3A_1360 = arith.addi %iota3A, %add3A_1359 : vector<8x2048xi32>
    %select_n3A_1361 = arith.select %gt3A_1357, %add3A_1360, %select_n3A_1350 : vector<8x2048xi1>, vector<8x2048xi32>
    %max3A_1362 = arith.maximumf %max3A_1351, %exp3A_1355 : vector<8x2048xf32>
    %get3A_1363 = arith.constant 992 : index
    %get3A_1364 = arith.constant 0 : index
    %get3A_1365 = vector.load %arg1[%get3A_1363, %get3A_1364] : memref<1000x2048xf32, #tpu.memory_space<vmem>>, vector<8x2048xf32>
    %exp3A_1366 = math.exp %get3A_1365 : vector<8x2048xf32>
    %add3A_1367 = arith.addf %add3A_1356, %exp3A_1366 : vector<8x2048xf32>
    %gt3A_1368 = arith.cmpf ogt, %exp3A_1366, %max3A_1362 : vector<8x2048xf32>
    %add3A_1369 = arith.constant 992 : i32
    %add3A_1370 = vector.broadcast %add3A_1369 : i32 to vector<8x2048xi32>
    %add3A_1371 = arith.addi %iota3A, %add3A_1370 : vector<8x2048xi32>
    %select_n3A_1372 = arith.select %gt3A_1368, %add3A_1371, %select_n3A_1361 : vector<8x2048xi1>, vector<8x2048xi32>
    %max3A_1373 = arith.maximumf %max3A_1362, %exp3A_1366 : vector<8x2048xf32>
    %reduce_max3A = arith.constant dense<0xFF800000> : vector<2048xf32>
    %reduce_max3A_1374 = vector.multi_reduction <maximumf>, %max3A_1373, %reduce_max3A [0] : vector<8x2048xf32> to vector<2048xf32>
    %broadcast_in_dim3A_1375 = vector.shape_cast %reduce_max3A_1374 : vector<2048xf32> to vector<1x2048xf32>
    %reduce_sum3A = arith.constant dense<0.000000e+00> : vector<2048xf32>
    %reduce_sum3A_1376 = vector.multi_reduction <add>, %add3A_1367, %reduce_sum3A [0] : vector<8x2048xf32> to vector<2048xf32>
    %broadcast_in_dim3A_1377 = vector.shape_cast %reduce_sum3A_1376 : vector<2048xf32> to vector<1x2048xf32>
    %eq3A = vector.broadcast %broadcast_in_dim3A_1375 : vector<1x2048xf32> to vector<8x2048xf32>
    %eq3A_1378 = arith.cmpf oeq, %max3A_1373, %eq3A : vector<8x2048xf32>
    %jit3A = arith.constant 1000 : i32
    %broadcast_in_dim3A_1379 = vector.broadcast %jit3A : i32 to vector<8x2048xi32>
    %select_n3A_1380 = arith.select %eq3A_1378, %select_n3A_1372, %broadcast_in_dim3A_1379 : vector<8x2048xi1>, vector<8x2048xi32>
    %reduce_min3A = arith.constant dense<2147483647> : vector<2048xi32>
    %reduce_min3A_1381 = vector.multi_reduction <minsi>, %select_n3A_1380, %reduce_min3A [0] : vector<8x2048xi32> to vector<2048xi32>
    %broadcast_in_dim3A_1382 = vector.shape_cast %reduce_min3A_1381 : vector<2048xi32> to vector<1x2048xi32>
    %get3A_1383 = arith.constant 0 : index
    %get3A_1384 = arith.constant 0 : index
    %get3A_1385 = vector.load %arg2[%get3A_1383, %get3A_1384] : memref<1x2048xi32, #tpu.memory_space<vmem>>, vector<1x2048xi32>
    %eq3A_1386 = arith.cmpi eq, %broadcast_in_dim3A_1382, %get3A_1385 : vector<1x2048xi32>
    %convert_element_type3A = arith.extui %eq3A_1386 : vector<1x2048xi1> to vector<1x2048xi32>
    %convert_element_type3A_1387 = arith.sitofp %convert_element_type3A : vector<1x2048xi32> to vector<1x2048xf32>
    %div3A = arith.divf %broadcast_in_dim3A_1375, %broadcast_in_dim3A_1377 : vector<1x2048xf32>
    %swap3A = arith.constant 0 : index
    %swap3A_1388 = arith.constant 0 : index
    %swap3A_1389 = vector.load %arg3[%swap3A, %swap3A_1388] : memref<2x2048xf32, #tpu.memory_space<vmem>>, vector<1x2048xf32>
    tpu.vector_store %arg3[%swap3A, %swap3A_1388], %div3A {strides = array<i32>} : memref<2x2048xf32, #tpu.memory_space<vmem>>, vector<1x2048xf32>,
    %swap3A_1390 = arith.constant 1 : index
    %swap3A_1391 = arith.constant 0 : index
    %swap3A_1392 = vector.load %arg3[%swap3A_1390, %swap3A_1391] : memref<2x2048xf32, #tpu.memory_space<vmem>>, vector<1x2048xf32>
    tpu.vector_store %arg3[%swap3A_1390, %swap3A_1391], %convert_element_type3A_1387 {strides = array<i32>} : memref<2x2048xf32, #tpu.memory_space<vmem>>, vector<1x2048xf32>,
    return
  }
  func.func @transform_0(%arg0: i32) -> (i32, i32) {
    %c0_i32 = arith.constant 0 : i32
    %c0_i32_0 = arith.constant 0 : i32
    return %c0_i32, %arg0 : i32, i32
  }
  func.func @transform_1(%arg0: i32) -> (i32, i32) {
    %c0_i32 = arith.constant 0 : i32
    %c0_i32_0 = arith.constant 0 : i32
    return %c0_i32, %arg0 : i32, i32
  }
  func.func @transform_2(%arg0: i32) -> (i32, i32) {
    %c0_i32 = arith.constant 0 : i32
    %c0_i32_0 = arith.constant 0 : i32
    return %c0_i32, %arg0 : i32, i32
  }
}

</mosaic_0001>

<sc_bundles>
// kernel: kernel.4.cloned.1.call-start
scs
__scs_entry_jumppad:
0x0: {  	(pc) =	sbr.rel $0x88, $3  }
0x1: {  	(tag) =	ssettag $0x0;
	lr =	simm.s32 $0x1  }
0x2: {  	[smem:$0x3F9F] =	sst lr;
	_ =	strace $0xD0000000  }
0x3: {  	_ = 	snop  }
0x4: {  	_ = 	snop  }
0x5: {  	_ = 	snop  }
0x6: {  	_ = 	snop  }
0x7: {  	_ = 	snop  }
__scs_overlays_trampoline_lowered:
0x8: {  	[smem:$0x3FAE] =	sst s0  }
0x9: {  	[smem:$0x3FAF] =	sst s1  }
0xa: {  	[smem:$0x3FB0] =	sst s2  }
0xb: {  	[smem:$0x3FB1] =	sst s3  }
0xc: {  	[smem:$0x3FB2] =	sst s4  }
0xd: {  	[smem:$0x3FB3] =	sst s5  }
0xe: {  	[smem:$0x3FB4] =	sst s6  }
0xf: {  	[smem:$0x3FB5] =	sst s7  }
0x10: {  	[smem:$0x3FB6] =	sst s8  }
0x11: {  	[smem:$0x3FB7] =	sst s9;
	s0 =	simm.s32 @!p0 $0x0  }
0x12: {  	s1 =	sld [smem:$0x3F9D];
	s0 =	simm.s32 @p0 $0x1  }
0x13: {  	[smem:$0x3FB8] =	sst s0;
	s0 =	simm.s32 @!p1 $0x0  }
0x14: {  	s2 =	sld [smem:$0x3F9C];
	s0 =	simm.s32 @p1 $0x1  }
0x15: {  	[smem:$0x3FB9] =	sst s0;
	s0 =	simm.s32 @!p2 $0x0  }
0x16: {  	s3 =	sld [smem:$0x3FDB];
	s0 =	simm.s32 @p2 $0x1  }
0x17: {  	s4 =	simm.s32 $0x1BF5;
	[smem:$0x3FBB] =	sst s0  }
0x18: {  	s0 =	sld [smem:$0x3F9E];
	_ =	swait.ge [sflag:s4], $0x0  }
0x19: {  	s7 =	sld [smem:$0x3F9F]  }
0x1a: {  	s8 =	sadd.s32 $0xFFFFE003, lr  }
0x1b: {  	s9 =	sadd.s32 $0xFFFFFEF7, lr;
	s5 =	simm.s32 $0xFFFFFFFF;
	p2 =	slt.u32 s8, $0xFFFFF086  }
0x1c: {  	p1 =	slt.u32 s9, $0xF7A;
	s5 =	simm.s32 @!p2 $0x0  }
0x1d: {  	s5 =	simm.s32 @p1 $0x1;
	p0 =	seq.s32 s7, s2  }
0x1e: {  	s7 =	smul.u32 @!p0 $0xF7A, s2;
	p2 =	seq.s32 @!p0 s5, $0x0  }
0x1f: {  	s9 =	smul.u32 $0xF7A, s1;
	s8 =	simm.s32 @!p0 $0x1BF5;
	p2 =	por !p2, p0  }
0x20: {  	[sflag:s8] =	ssyncset.s32 @!p0 $0xFFFFF086;
	s6 =	sadd.s32 @!p0 s3, s7;
	s7 =	simm.s32 @!p0 $0x108  }
0x21: {  	s3 =	sadd.s32 s3, s9;
	s6 =	sadd.s32 @!p0 $0x88, s6;
	s7 =	simm.s32 @p2 $0x1082  }
0x22: {  	[simem:s7], [sflag:s8] =	dma.local @!p0 [hbm:s6], $0xF7A  }
0x23: {  	s9 =	sor.u32 $0xD0000000, s2;
	s6 =	simm.s32 $0x108;
	_ =	swait.ge @!p0 [sflag:s8], $0x0  }
0x24: {  	s3 =	sadd.s32 $0x88, s3;
	s6 =	simm.s32 @!p1 $0x1082;
	[sflag:s4] =	ssyncset.s32 $0xFFFFF086  }
0x25: {  	[simem:s6], [sflag:s4] =	dma.local [hbm:s3], $0xF7A  }
0x26: {  	[smem:$0x3F9F] =	sst s1;
	(tag) =	ssettag s2;
	_ =	strace s9  }
0x27: {  	s1 =	sld [smem:$0x3FAF]  }
0x28: {  	s2 =	sld [smem:$0x3FB0]  }
0x29: {  	s4 =	sld [smem:$0x3FB2]  }
0x2a: {  	p0 =	seq.s32 s5, $0x0;
	s5 =	sld [smem:$0x3FB3]  }
0x2b: {  	s6 =	sld [smem:$0x3FB4]  }
0x2c: {  	s7 =	sld [smem:$0x3FB5]  }
0x2d: {  	s3 =	simm.s32 $0x108;
	s8 =	sld [smem:$0x3FB6]  }
0x2e: {  	s3 =	simm.s32 @!p0 $0x1082;
	s9 =	sld [smem:$0x3FB7]  }
0x2f: {  	lr =	sadd.s32 s0, s3;
	s0 =	sld [smem:$0x3FAE]  }
0x30: {  	s3 =	sld [smem:$0x3FB1]  }
0x31: {  	[smem:$0x3FBA] =	sst s10  }
0x32: {  	s10 =	sld [smem:$0x3FB8];
	_ =	sdelay $0x3  }
0x33: {  	p0 =	seq.s32 s10, $0x1;
	s10 =	sld [smem:$0x3FBA];
	_ =	sdelay $0x3  }
0x34: {  	[smem:$0x3FBA] =	sst s10  }
0x35: {  	s10 =	sld [smem:$0x3FB9];
	_ =	sdelay $0x3  }
0x36: {  	p1 =	seq.s32 s10, $0x1;
	s10 =	sld [smem:$0x3FBA];
	_ =	sdelay $0x3  }
0x37: {  	[smem:$0x3FBA] =	sst s10  }
0x38: {  	s10 =	sld [smem:$0x3FBB]  }
0x39: {  	_ = 	snop;
	(pc) =	sbr.ind lr, $3  }
0x3a: {  	_ = 	snop  }
0x3b: {  	_ = 	snop  }
0x3c: {  	p2 =	seq.s32 s10, $0x1;
	s10 =	sld [smem:$0x3FBA]  }
0x3d: {  	_ =	shalt  }
0x3e: {  	_ =	shalt  }
0x3f: {  	_ =	shalt  }
0x40: {  	_ =	shalt  }
0x41: {  	_ =	shalt  }
0x42: {  	_ =	shalt  }
0x43: {  	_ =	shalt  }
0x44: {  	_ =	shalt  }
0x45: {  	_ =	shalt  }
0x46: {  	_ =	shalt  }
0x47: {  	_ =	shalt  }
0x48: {  	_ =	shalt  }
0x49: {  	_ =	shalt  }
0x4a: {  	_ =	shalt  }
0x4b: {  	_ =	shalt  }
0x4c: {  	_ =	shalt  }
0x4d: {  	_ =	shalt  }
0x4e: {  	_ =	shalt  }
0x4f: {  	_ =	shalt  }
0x50: {  	_ =	shalt  }
0x51: {  	_ =	shalt  }
0x52: {  	_ =	shalt  }
0x53: {  	_ =	shalt  }
0x54: {  	_ =	shalt  }
0x55: {  	_ =	shalt  }
0x56: {  	_ =	shalt  }
0x57: {  	_ =	shalt  }
0x58: {  	_ =	shalt  }
0x59: {  	_ =	shalt  }
0x5a: {  	_ =	shalt  }
0x5b: {  	_ =	shalt  }
0x5c: {  	_ =	shalt  }
0x5d: {  	_ =	shalt  }
0x5e: {  	_ =	shalt  }
0x5f: {  	_ =	shalt  }
0x60: {  	_ =	shalt  }
0x61: {  	_ =	shalt  }
0x62: {  	_ =	shalt  }
0x63: {  	_ =	shalt  }
0x64: {  	_ =	shalt  }
0x65: {  	_ =	shalt  }
0x66: {  	_ =	shalt  }
0x67: {  	_ =	shalt  }
0x68: {  	_ =	shalt  }
0x69: {  	_ =	shalt  }
0x6a: {  	_ =	shalt  }
0x6b: {  	_ =	shalt  }
0x6c: {  	_ =	shalt  }
0x6d: {  	_ =	shalt  }
0x6e: {  	_ =	shalt  }
0x6f: {  	_ =	shalt  }
0x70: {  	_ =	shalt  }
0x71: {  	_ =	shalt  }
0x72: {  	_ =	shalt  }
0x73: {  	_ =	shalt  }
0x74: {  	_ =	shalt  }
0x75: {  	_ =	shalt  }
0x76: {  	_ =	shalt  }
0x77: {  	_ =	shalt  }
0x78: {  	_ =	shalt  }
0x79: {  	_ =	shalt  }
0x7a: {  	_ =	shalt  }
0x7b: {  	_ =	shalt  }
0x7c: {  	_ =	shalt  }
0x7d: {  	_ =	shalt  }
0x7e: {  	_ =	shalt  }
0x7f: {  	_ =	shalt  }
0x80: {  	_ =	shalt  }
0x81: {  	_ =	shalt  }
0x82: {  	_ =	shalt  }
0x83: {  	_ =	shalt  }
0x84: {  	_ =	shalt  }
0x85: {  	_ =	shalt  }
0x86: {  	_ =	shalt  }
0x87: {  	_ =	shalt  }
.Lfunc_end0:
.L_simem_size_0:
called_computation_lowered:
.L_overlay_start_0:
0x88: {  	s2 =	sld [smem:$0x3FD9]  }
0x89: {  	s3 =	sld [smem:$0x3FFE];
	_ =	sdelay $0x1  }
0x8a: {  	s1 =	srdreg.scid  }
0x8b: {  	s0 =	sand.u32 $0x1, s1  }
0x8c: {  	s16 =	sshll.u32 s0, $0xA;
	s2 =	sadd.s32 s3, s2  }
0x8d: {  	s2 =	sadd.s32 s2, s16  }
0x8e: {  	[smem:$0x3FC6] =	sst s2  }
0x8f: {  	_ = 	snop  }
0x90: {  	(tm) =	ssettm $0x1  }
0x91: {  	s17 =	sld [smem:$0x3FFB];
	_ =	sdelay $0x3  }
0x92: {  	_ =	strace s17  }
0x93: {  	s2 =	sld [smem:$0x3FFC];
	_ =	sdelay $0x3  }
0x94: {  	_ =	strace s2  }
0x95: {  	s2 =	sld [smem:$0x3FFD];
	_ =	sdelay $0x3  }
0x96: {  	_ =	strace s2  }
0x97: {  	_ =	strace $0x8FFFFFFF  }
0x98: {  	s18 =	sld [smem:$0x3FDB];
	_ =	sdelay $0x1  }
0x99: {  	s19 =	simm.s32 $_scs_section_size  }
0x9a: {  	s4 =	simm.s32 $_size__tile_overlayer_lowered;
	s5 =	simm.s32 $_tile_overlayer_lowered  }
0x9b: {  	s22 =	simm.s32 $0x1BFF;
	s21 =	sshll.u32 s5, $0x1;
	s2 =	sadd.s32 s19, s18  }
0x9c: {  	s6 =	simm.s32 $0x0;
	s20 =	sshll.u32 s4, $0x1;
	s4 =	sadd.s32 s21, s2  }
0x9d: {  	[timem:s6], [sflag:s22] =	dma.local [hbm:s4], s20  }
0x9e: {  	_ =	swait.ge [sflag:s22], s20  }
0x9f: {  	s3 =	ssub.s32 $0x0, s20;
	[sflag:s22] =	ssyncset.done $0x0  }
0xa0: {  	[sflag:s22] =	ssyncadd.s32 s3;
	_ =	sdelay $0x1  }
0xa1: {  	s23 =	simm.s32 $0x1B8B  }
0xa2: {  	_ =	swait.ge [sflag:s23], $0x1  }
0xa3: {  	[sflag:s23] =	ssyncset.done $0x0  }
0xa4: {  	s25 =	simm.s32 $0x1B8E;
	s24 =	sld [smem:$0x3FFE];
	[sflag:s23] =	ssyncadd.s32 $0xFFFFFFFF  }
0xa5: {  	s26 =	simm.s32 $execute0_lowered;
	[smem:$0x3FD2] =	sst s25  }
0xa6: {  	s4 =	sshll.u32 s26, $0x1;
	_ =	strace $0x80000046;
	[dreg:$0x1] =	wrdreg $0xFFFFFFFF  }
0xa7: {  	s28 =	simm.s32 $_size_execute0_lowered;
	s2 =	sadd.s32 s2, s4;
	[dreg:$0x0] =	wrdreg $0x0  }
0xa8: {  	s4 =	sshll.u32 s28, $0x1;
	[dreg:$0x2] =	wrdreg s2  }
0xa9: {  	[dreg:$0x3] =	wrdreg s4  }
0xaa: {  	[dreg:$0x4] =	wrdreg $0xC0  }
0xab: {  	_ =	task [dreg:s6], $0x5FFFF  }
0xac: {  	[dreg:$0x1] =	wrdreg $0xFFFFFFFF  }
0xad: {  	[dreg:$0x0] =	wrdreg $0x60  }
0xae: {  	[dreg:$0x2] =	wrdreg s24  }
0xaf: {  	[dreg:$0x3] =	wrdreg $0x9  }
0xb0: {  	_ =	task.clear_ibuf [dreg:s6], $0x4FFFF;
	_ =	strace $0x90000046  }
0xb1: {  	s29 =	simm.s32 $0x9;
	_ =	strace $0x80000048  }
0xb2: {  	_ =	swait.ge [sflag:s29], $0x1  }
0xb3: {  	[sflag:s29] =	ssyncadd.s32 $0xFFFFFFFF  }
0xb4: {  	_ =	strace $0x90000048  }
0xb5: {  	_ =	sfence  }
0xb6: {  	s30 =	sld [smem:$0x0];
	_ =	sdelay $0x2  }
0xb7: {  	s31 =	sshll.u32 s1, $0xD;
	s1 =	sshrl.u32 s1, $0x2  }
0xb8: {  	s3 =	sand.u32 $0x4000, s31;
	s1 =	sadd.s32 s1, s30  }
0xb9: {  	s0 =	sor.u32 s3, s0;
	s1 =	sshll.u32 s1, $0x11  }
0xba: {  	s0 =	sor.u32 s1, s0  }
0xbb: {  	s0 =	sadd.s32 $0x8F2B, s0  }
0xbc: {  	[sflag:s0] =	ssyncadd.remote.s32 $0x1  }
0xbd: {  	_ =	sfence.sel $0xFFFF  }
0xbe: {  	[dreg:$0x0] =	wrdreg $0xFFFFFFFF;
	(pc) =	sbr.abs _section_cstart, $3  }
0xbf: {  	[dreg:$0x1] =	wrdreg $0xFFFFFFFF  }
0xc0: {  	_ =	task.clear_ibuf [dreg:s6], $0x2FFFF;
	_ =	strace $0x9FFFFFFF  }
0xc1: {  	(tm) =	ssettm $0x7FFFFFFF  }
tec
execute0_lowered:
.L_overlay_start_1:
0x0: {  	(tag) =	ssettag $0x1  }
0x1: {  	s3 =	rddreg [dreg:$0x0]  }
0x2: {  	s0 =	rddreg [dreg:$0x1];
	s4 =	srdreg.scid  }
0x3: {  	s1 =	stileid.u32;
	s2 =	simm.s32 $0x0;
	s9 =	simm.s32 $0x100  }
0x4: {  	s10 =	simm.s32 $0x1;
	s11 =	simm.s32 $0x200;
	s12 =	simm.s32 $0x400  }
0x5: {  	s13 =	simm.s32 $0xC00;
	s14 =	simm.s32 $0x1400;
	s15 =	simm.s32 $0x0  }
0x6: {  	s4 =	sand.u32 $0x1, s4;
	s5 =	sshll.u32 s1, $0x1;
	[smem:$0x7FF] =	sst s2  }
0x7: {  	s5 =	sor.u32 s4, s5;
	_ =	strace $0x80000047;
	s4 =	ssub.s32 $0x2, s4  }
0x8: {  	v0 =	vlaneseq.u32;
	s6 =	sshll.u32 s5, $0x7;
	s5 =	sshll.u32 s5, $0x5;
	s7 =	sshrl.u32 s4, $0x1  }
0x9: {  	v0 =	vmul.u32 $0x80, v0;
	s6 =	sadd.s32 s6, s3;
	s8 =	sadd.s32 s5, s3;
	s7 =	ssub.s32 s4, s7  }
0xa: {  	v1 =	vimm.f32 $0.0e+00;
	s3 =	sadd.s32 $0x400, s6;
	s4 =	sadd.s32 $0x410, s6;
	s5 =	sadd.s32 $0x1400, s8  }
0xb: {  	v2 =	vimm.s32 $0x0;
	v4 =	vimm.f32 $1.000000000e+00;
	v3 =	vor.u32 $0x1, v0;
	s6 =	sadd.s32 $0x1410, s8;
	s7 =	smax.u32 s7, $0x1;
	s8 =	simm.s32 $0x80  }
.LBB2_1:
0xc: {  	[tilespmem:s2], [sflag:$0x1] =	stream.strided.gather [hbm4b:s3+s8], $0x200, s9, s8, $0x38;
	[tilespmem:$0x1480] =	vst v63  }
0xd: {  	_ =	swait.ge [sflag:s10], $0x200  }
0xe: {  	[sflag:s10] =	ssyncset.done $0x0  }
0xf: {  	[sflag:s10] =	ssyncadd.s32 $0xFFFFFE00  }
0x10: {  	[tilespmem:s11], [sflag:$0x1] =	stream.strided.gather [hbm4b:s4+s8], $0x200, s9, s8, $0x38;
	[tilespmem:$0x1480] =	vst v63  }
0x11: {  	_ =	swait.ge [sflag:s10], $0x200  }
0x12: {  	[sflag:s10] =	ssyncset.done $0x0  }
0x13: {  	[sflag:s10] =	ssyncadd.s32 $0xFFFFFE00  }
0x14: {  	[tilespmem:$0x400] =	vst v1  }
0x15: {  	[tilespmem:$0xC00] =	vst v1  }
0x16: {  	[tilespmem:$0x480] =	vst v1  }
0x17: {  	[tilespmem:$0xC80] =	vst v1  }
0x18: {  	[tilespmem:$0x500] =	vst v1  }
0x19: {  	[tilespmem:$0xD00] =	vst v1  }
0x1a: {  	[tilespmem:$0x580] =	vst v1  }
0x1b: {  	[tilespmem:$0xD80] =	vst v1  }
0x1c: {  	[tilespmem:$0x600] =	vst v1  }
0x1d: {  	[tilespmem:$0xE00] =	vst v1  }
0x1e: {  	[tilespmem:$0x680] =	vst v1  }
0x1f: {  	[tilespmem:$0xE80] =	vst v1  }
0x20: {  	[tilespmem:$0x700] =	vst v1  }
0x21: {  	[tilespmem:$0xF00] =	vst v1  }
0x22: {  	[tilespmem:$0x780] =	vst v1  }
0x23: {  	[tilespmem:$0xF80] =	vst v1  }
0x24: {  	[tilespmem:$0x800] =	vst v1  }
0x25: {  	[tilespmem:$0x1000] =	vst v1  }
0x26: {  	[tilespmem:$0x880] =	vst v1  }
0x27: {  	[tilespmem:$0x1080] =	vst v1  }
0x28: {  	[tilespmem:$0x900] =	vst v1  }
0x29: {  	[tilespmem:$0x1100] =	vst v1  }
0x2a: {  	[tilespmem:$0x980] =	vst v1  }
0x2b: {  	[tilespmem:$0x1180] =	vst v1  }
0x2c: {  	[tilespmem:$0xA00] =	vst v1  }
0x2d: {  	[tilespmem:$0x1200] =	vst v1  }
0x2e: {  	[tilespmem:$0xA80] =	vst v1  }
0x2f: {  	[tilespmem:$0x1280] =	vst v1  }
0x30: {  	[tilespmem:$0xB00] =	vst v1  }
0x31: {  	[tilespmem:$0x1300] =	vst v1  }
0x32: {  	[tilespmem:$0xB80] =	vst v1  }
0x33: {  	s16 =	simm.s32 $0x0;
	[tilespmem:$0x1380] =	vst v1  }
0x34: {  	v5 =	vld [tilespmem:s16+$0x0]  }
0x35: {  	s17 =	simm.s32 $0x40  }
.LBB2_2:
0x36: {  	p0 =	sne.s32 s17, $0x7C0;
	_ =	sdelay $0x2  }
0x37: {  	vm0 =	vge.f32 v5, $1.333333400e-01  }
0x38: {  	vm1 =	vge.f32 v5, $6.666667010e-02;
	vm2 =	vge.f32 v5, $2.000000180e-01;
	vm3 =	vge.f32 v5, $2.666666810e-01  }
0x39: {  	v6 =	vsel vm3, $0x1, v2;
	vm3 =	vge.f32 v5, $3.333333430e-01;
	v7 =	vsel vm2, v3, v0  }
0x3a: {  	vm2 =	vge.f32 v5, $4.000000360e-01;
	v8 =	vsel vm3, $0x1, v2;
	v6 =	vadd.s32 v6, v7  }
0x3b: {  	v7 =	vsel vm2, $0x1, v2;
	vm2 =	vge.f32 v5, $4.666666980e-01;
	v6 =	vadd.s32 v8, v6  }
0x3c: {  	v8 =	vsel vm2, $0x1, v2;
	vm2 =	vge.f32 v5, $5.333333610e-01;
	v6 =	vadd.s32 v7, v6  }
0x3d: {  	v7 =	vsel vm2, $0x1, v2;
	vm2 =	vge.f32 v5, $6.000000240e-01;
	v6 =	vadd.s32 v8, v6  }
0x3e: {  	v8 =	vsel vm2, $0x1, v2;
	vm2 =	vge.f32 v5, $6.666666860e-01;
	v6 =	vadd.s32 v7, v6  }
0x3f: {  	v7 =	vsel vm2, $0x1, v2;
	vm2 =	vge.f32 v5, $7.333333490e-01;
	v6 =	vadd.s32 v8, v6  }
0x40: {  	v8 =	vsel vm2, $0x1, v2;
	vm2 =	vge.f32 v5, $8.000000710e-01;
	v6 =	vadd.s32 v7, v6  }
0x41: {  	v7 =	vsel vm2, $0x1, v2;
	vm2 =	vge.f32 v5, $8.666667340e-01;
	v6 =	vadd.s32 v8, v6  }
0x42: {  	v8 =	vsel vm2, $0x1, v2;
	vm2 =	vge.f32 v5, $9.333333960e-01;
	v5 =	vadd.s32 v7, v6  }
0x43: {  	v6 =	vsel vm1, $0x1, v2;
	v7 =	vsel vm2, $0x1, v2;
	v5 =	vadd.s32 v8, v5  }
0x44: {  	v6 =	vsel vm0, $0x2, v6;
	v5 =	vadd.s32 v7, v5  }
0x45: {  	v5 =	vadd.s32 v6, v5;
	v7 =	vld [tilespmem:s16+$0x200];
	_ =	sdelay $0x3  }
.Ltmp0:
0x46: {  	(pc) =	sbr.rel @p0 .LBB2_2-.Ltmp0, $4  }
0x47: {  	[tilespmem:v5+s12+$0x0] =	vst.idx.add.f32.msk $0xffff, v7  }
0x48: {  	s16 =	sshra.s32 s17, $0x2;
	[tilespmem:v5+s13+$0x0] =	vst.idx.add.f32.msk $0xffff, v4  }
0x49: {  	v5 =	vld [tilespmem:s16+$0x0]  }
0x4a: {  	s17 =	sadd.s32 $0x40, s17  }
0x4b: {  	_ =	sdelay $0x2  }
0x4c: {  	vm0 =	vge.f32 v5, $1.333333400e-01  }
0x4d: {  	vm1 =	vge.f32 v5, $6.666667010e-02;
	vm2 =	vge.f32 v5, $2.000000180e-01;
	vm3 =	vge.f32 v5, $2.666666810e-01  }
0x4e: {  	vm6 =	vge.f32 v5, $3.333333430e-01;
	v6 =	vsel vm3, $0x1, v2;
	v7 =	vsel vm2, v3, v0  }
0x4f: {  	vm7 =	vge.f32 v5, $4.000000360e-01;
	v8 =	vsel vm6, $0x1, v2;
	v6 =	vadd.s32 v6, v7  }
0x50: {  	vm8 =	vge.f32 v5, $4.666666980e-01;
	v7 =	vsel vm7, $0x1, v2;
	v6 =	vadd.s32 v8, v6  }
0x51: {  	vm9 =	vge.f32 v5, $5.333333610e-01;
	v40 =	vsel vm8, $0x1, v2;
	v6 =	vadd.s32 v7, v6  }
0x52: {  	vm10 =	vge.f32 v5, $6.000000240e-01;
	v7 =	vsel vm9, $0x1, v2;
	v6 =	vadd.s32 v40, v6  }
0x53: {  	vm11 =	vge.f32 v5, $6.666666860e-01;
	v41 =	vsel vm10, $0x1, v2;
	v6 =	vadd.s32 v7, v6  }
0x54: {  	vm12 =	vge.f32 v5, $7.333333490e-01;
	v7 =	vsel vm11, $0x1, v2;
	v6 =	vadd.s32 v41, v6  }
0x55: {  	vm13 =	vge.f32 v5, $8.000000710e-01;
	v42 =	vsel vm12, $0x1, v2;
	v6 =	vadd.s32 v7, v6  }
0x56: {  	vm14 =	vge.f32 v5, $8.666667340e-01;
	v7 =	vsel vm13, $0x1, v2;
	v6 =	vadd.s32 v42, v6  }
0x57: {  	vm15 =	vge.f32 v5, $9.333333960e-01;
	v43 =	vsel vm14, $0x1, v2;
	v5 =	vadd.s32 v7, v6  }
0x58: {  	v6 =	vsel vm1, $0x1, v2;
	v7 =	vsel vm15, $0x1, v2;
	v5 =	vadd.s32 v43, v5  }
0x59: {  	v6 =	vsel vm0, $0x2, v6;
	v5 =	vadd.s32 v7, v5  }
0x5a: {  	v7 =	vld [tilespmem:s16+$0x200];
	v5 =	vadd.s32 v6, v5;
	_ =	sdelay $0x4  }
0x5b: {  	[tilespmem:v5+s12+$0x0] =	vst.idx.add.f32.msk $0xffff, v7  }
0x5c: {  	[tilespmem:v5+s13+$0x0] =	vst.idx.add.f32.msk $0xffff, v4  }
0x5d: {  	v5 =	vld [tilespmem:$0x400];
	_ =	sdelay $0x1  }
0x5e: {  	v6 =	vld [tilespmem:$0x480]  }
0x5f: {  	v7 =	vld [tilespmem:$0xC00]  }
0x60: {  	v44 =	vld [tilespmem:$0x500]  }
0x61: {  	v9 =	vld [tilespmem:$0xC80];
	v5 =	vadd.f32 $0.0e+00, v5  }
0x62: {  	v10 =	vld [tilespmem:$0x580]  }
0x63: {  	v5 =	vadd.f32 v6, v5;
	v6 =	vld [tilespmem:$0xD00]  }
0x64: {  	v11 =	vld [tilespmem:$0x600];
	v7 =	vadd.f32 $0.0e+00, v7  }
0x65: {  	v45 =	vld [tilespmem:$0xD80];
	v5 =	vadd.f32 v44, v5  }
0x66: {  	v12 =	vld [tilespmem:$0x680];
	v7 =	vadd.f32 v9, v7  }
0x67: {  	v46 =	vld [tilespmem:$0xE00];
	v5 =	vadd.f32 v10, v5  }
0x68: {  	v47 =	vld [tilespmem:$0x700];
	v6 =	vadd.f32 v6, v7  }
0x69: {  	v7 =	vld [tilespmem:$0xE80];
	v5 =	vadd.f32 v11, v5  }
0x6a: {  	v48 =	vld [tilespmem:$0x780];
	v6 =	vadd.f32 v45, v6  }
0x6b: {  	v49 =	vld [tilespmem:$0xF00];
	v5 =	vadd.f32 v12, v5  }
0x6c: {  	v50 =	vld [tilespmem:$0x800];
	v6 =	vadd.f32 v46, v6  }
0x6d: {  	v51 =	vld [tilespmem:$0xF80];
	v5 =	vadd.f32 v47, v5  }
0x6e: {  	v52 =	vld [tilespmem:$0x880];
	v6 =	vadd.f32 v7, v6  }
0x6f: {  	v7 =	vld [tilespmem:$0x1000];
	v5 =	vadd.f32 v48, v5  }
0x70: {  	v53 =	vld [tilespmem:$0x900];
	v6 =	vadd.f32 v49, v6  }
0x71: {  	v54 =	vld [tilespmem:$0x1080];
	v5 =	vadd.f32 v50, v5  }
0x72: {  	v55 =	vld [tilespmem:$0x980];
	v6 =	vadd.f32 v51, v6  }
0x73: {  	v56 =	vld [tilespmem:$0x1100];
	v5 =	vadd.f32 v52, v5  }
0x74: {  	v57 =	vld [tilespmem:$0xA00];
	v6 =	vadd.f32 v7, v6  }
0x75: {  	v7 =	vld [tilespmem:$0x1180];
	v5 =	vadd.f32 v53, v5  }
0x76: {  	v58 =	vld [tilespmem:$0xA80];
	v6 =	vadd.f32 v54, v6  }
0x77: {  	v59 =	vld [tilespmem:$0x1200];
	v5 =	vadd.f32 v55, v5  }
0x78: {  	v60 =	vld [tilespmem:$0xB00];
	v6 =	vadd.f32 v56, v6  }
0x79: {  	v61 =	vld [tilespmem:$0x1280];
	v5 =	vadd.f32 v57, v5  }
0x7a: {  	v62 =	vld [tilespmem:$0xB80];
	v6 =	vadd.f32 v7, v6  }
0x7b: {  	v7 =	vld [tilespmem:$0x1300];
	v5 =	vadd.f32 v58, v5  }
0x7c: {  	v6 =	vadd.f32 v59, v6  }
0x7d: {  	v63 =	vld [tilespmem:$0x1380];
	v5 =	vadd.f32 v60, v5  }
0x7e: {  	v6 =	vadd.f32 v61, v6  }
0x7f: {  	v5 =	vadd.f32 v62, v5  }
0x80: {  	v6 =	vadd.f32 v7, v6  }
0x81: {  	[tilespmem:$0x1400] =	vst v5  }
0x82: {  	v6 =	vadd.f32 v63, v6;
	[hbm4b:s5+s2] =	stream.linear.scatter [tilespmem:s14], [sflag:$0x1], $0x80, $0x38;
	[tilespmem:$0x1480] =	vst v63  }
0x83: {  	_ =	swait.ge [sflag:s10], $0x80  }
0x84: {  	s15 =	sadd.s32 $0x1, s15;
	[sflag:s10] =	ssyncset.done $0x0;
	v5 =	vsub.f32 v6, v5  }
0x85: {  	p0 =	sne.s32 s15, s7;
	[sflag:s10] =	ssyncadd.s32 $0xFFFFFF80  }
.Ltmp1:
0x86: {  	[tilespmem:$0x1400] =	vst v5;
	(pc) =	sbr.rel @p0 .LBB2_1-.Ltmp1, $4  }
0x87: {  	[hbm4b:s6+s2] =	stream.linear.scatter [tilespmem:s14], [sflag:$0x1], $0x80, $0x38;
	[tilespmem:$0x1480] =	vst v63  }
0x88: {  	_ =	swait.ge [sflag:s10], $0x80  }
0x89: {  	[sflag:s10] =	ssyncset.done $0x0  }
0x8a: {  	[sflag:s10] =	ssyncadd.s32 $0xFFFFFF80  }
0x8b: {  	_ =	sfence.sel $0x180000  }
0x8c: {  	[bflag:$0x0] =	sbarrier.arrive $0xFFFF  }
0x8d: {  	p0 =	sne.s32 s1, $0x0;
	_ =	strace $0x90000047  }
0x8e: {  	s0 =	sadd.s32 @!p0 $0x100000, s0;
	[bflag:$0x2] =	sbarrier.arrive $0xFFFF  }
0x8f: {  	[sflag:s0] =	ssyncadd.tile.s32 @!p0 $0x1;
	_ =	shalt  }
.Lfunc_end2:
_tile_overlayer_lowered:
.L_overlay_start_2:
0x90: {  	(tag) =	ssettag $0x2  }
0x91: {  	s0 =	rddreg [dreg:$0x0];
	s2 =	stileid.u32  }
0x92: {  	s1 =	rddreg [dreg:$0x1];
	p0 =	sne.s32 s2, $0x0  }
0x93: {  	s3 =	rddreg [dreg:$0x2];
	[bflag:$0x3] =	sbarrier.arrive $0xFFFF;
	s2 =	simm.s32 @!p0 $0x1C01  }
0x94: {  	[timem:s3], [sflag:s2] =	dma.local @!p0 [hbm:s0], s1  }
0x95: {  	s0 =	simm.s32 @!p0 $0x1  }
0x96: {  	_ =	swait.ge @!p0 [sflag:s0], s1  }
0x97: {  	s1 =	ssub.s32 @!p0 $0x0, s1;
	[sflag:s0] =	ssyncset.done @!p0 $0x0  }
0x98: {  	[sflag:s0] =	ssyncadd.s32 @!p0 s1  }
0x99: {  	[bflag:$0x3] =	sbarrier.arrive $0xFFFF  }
0x9a: {  	_ =	shalt  }

</sc_bundles>
